<compile_context>
chip_gen: v7x
topology: tpu7x:2x2x1
jax: 0.10.2.dev20260603
libtpu: 0.0.44.dev20260713+nightly
codegen_flags: <defaults>
</compile_context>

<pallas_src>
import functools

import jax
import jax.numpy as jnp
from jax import lax
from jax.experimental import pallas as pl
from jax.experimental.pallas import tpu as pltpu
from jax.experimental.pallas import tpu_sc as plsc

N_NODES = 10000
N_EDGES = 320000
D = 128
NUM_RELS = 16

NUM_CORES = 2
NUM_SUBCORES = 16
NW = NUM_CORES * NUM_SUBCORES
B_CH = 128
NUM_CHUNKS = N_EDGES // B_CH
CHUNKS_PER_W = -(-NUM_CHUNKS // NW)
N_PAD = 10240
ROWS_PER_SUB = N_PAD // NUM_SUBCORES


def _xw_body(feat_ref, w_ref, xw_ref):
    xw_ref[0] = jnp.dot(feat_ref[...], w_ref[0],
                        preferred_element_type=jnp.float32)


def _make_xw(feat, weight):
    bn = 2000
    nb = N_NODES // bn
    return pl.pallas_call(
        _xw_body,
        grid=(nb, NUM_RELS),
        in_specs=[
            pl.BlockSpec((bn, D), lambda i, r: (i, 0)),
            pl.BlockSpec((1, D, D), lambda i, r: (r, 0, 0)),
        ],
        out_specs=pl.BlockSpec((1, bn, D), lambda i, r: (r, i, 0)),
        out_shape=jax.ShapeDtypeStruct((NUM_RELS, N_NODES, D), jnp.float32),
    )(feat, weight)


def _sc_body(xw_hbm, src_hbm, et_hbm, dst_hbm, zeros_hbm, part_hbm,
             et_a, et_b, dst_a, dst_b, idx_a, idx_b, rows_a, rows_b,
             acc_shared, sem_a, sem_b, sem_sa, sem_sb):
    core = lax.axis_index("c")
    sub = lax.axis_index("s")
    wid = core * NUM_SUBCORES + sub

    r0 = sub * ROWS_PER_SUB
    pltpu.sync_copy(zeros_hbm.at[pl.ds(r0, ROWS_PER_SUB)],
                    acc_shared.at[pl.ds(r0, ROWS_PER_SUB)])
    plsc.subcore_barrier()

    bufs = ((et_a, dst_a, idx_a, rows_a, sem_a, sem_sa),
            (et_b, dst_b, idx_b, rows_b, sem_b, sem_sb))

    def wait_scat(b):
        et, dst, idx, rows, sem, sem_s = bufs[b]
        pltpu.make_async_copy(rows, acc_shared.at[pl.ds(0, B_CH)],
                              sem_s).wait()

    def stage(j, b, scat_pending=True):
        c = j * NW + wid

        @pl.when(c < NUM_CHUNKS)
        def _():
            et, dst, idx, rows, sem, sem_s = bufs[b]
            base = pl.multiple_of(c * B_CH, B_CH)
            pltpu.sync_copy(src_hbm.at[pl.ds(base, B_CH)], idx)
            pltpu.sync_copy(et_hbm.at[pl.ds(base, B_CH)], et)
            pltpu.sync_copy(dst_hbm.at[pl.ds(base, B_CH)], dst)
            for k in range(B_CH // 16):
                sl = pl.ds(k * 16, 16)
                idx[sl] = et[sl] * N_NODES + idx[sl]
            if scat_pending:
                wait_scat(b)
            pltpu.async_copy(xw_hbm.at[idx], rows, sem)

    def drain_scat(j, b):
        c = j * NW + wid

        @pl.when(c < NUM_CHUNKS)
        def _():
            et, dst, idx, rows, sem, sem_s = bufs[b]
            pltpu.make_async_copy(xw_hbm.at[pl.ds(0, B_CH)], rows, sem).wait()
            pltpu.async_copy(rows, acc_shared.at[dst], sem_s, add=True)

    assert CHUNKS_PER_W % 2 == 1
    stage(0, 0, scat_pending=False)

    stage(1, 1, scat_pending=False)
    drain_scat(0, 0)
    stage(2, 0)
    drain_scat(1, 1)

    @pl.loop(2, CHUNKS_PER_W - 1, step=2)
    def _(j):
        stage(j + 1, 1)
        drain_scat(j, 0)
        stage(j + 2, 0)
        drain_scat(j + 1, 1)

    drain_scat(CHUNKS_PER_W - 1, 0)
    wait_scat(0)
    wait_scat(1)

    plsc.subcore_barrier()
    pltpu.sync_copy(acc_shared.at[pl.ds(r0, ROWS_PER_SUB)],
                    part_hbm.at[core, pl.ds(r0, ROWS_PER_SUB)])


def _run_sc(xw_flat, src, et, dst, zeros):
    mesh = plsc.VectorSubcoreMesh(core_axis_name="c", subcore_axis_name="s")
    k = pl.kernel(
        _sc_body,
        out_type=jax.ShapeDtypeStruct((NUM_CORES, N_PAD, D), jnp.float32),
        mesh=mesh,
        scratch_types=[
            pltpu.VMEM((B_CH,), jnp.int32),
            pltpu.VMEM((B_CH,), jnp.int32),
            pltpu.VMEM((B_CH,), jnp.int32),
            pltpu.VMEM((B_CH,), jnp.int32),
            pltpu.VMEM((B_CH,), jnp.int32),
            pltpu.VMEM((B_CH,), jnp.int32),
            pltpu.VMEM((B_CH, D), jnp.float32),
            pltpu.VMEM((B_CH, D), jnp.float32),
            pltpu.VMEM_SHARED((N_PAD, D), jnp.float32),
            pltpu.SemaphoreType.DMA,
            pltpu.SemaphoreType.DMA,
            pltpu.SemaphoreType.DMA,
            pltpu.SemaphoreType.DMA,
        ],
    )
    return k(xw_flat, src, et, dst, zeros)


def _comb_body(p_ref, feat_ref, lw_ref, b_ref, out_ref):
    out_ref[...] = (p_ref[0] + p_ref[1] + b_ref[...]
                    + jnp.dot(feat_ref[...], lw_ref[...],
                              preferred_element_type=jnp.float32))


def _combine(part, feat, loop_weight, bias2d):
    bn = 2000
    nb = N_NODES // bn
    return pl.pallas_call(
        _comb_body,
        grid=(nb,),
        in_specs=[
            pl.BlockSpec((NUM_CORES, bn, D), lambda i: (0, i, 0)),
            pl.BlockSpec((bn, D), lambda i: (i, 0)),
            pl.BlockSpec((D, D), lambda i: (0, 0)),
            pl.BlockSpec((1, D), lambda i: (0, 0)),
        ],
        out_specs=pl.BlockSpec((bn, D), lambda i: (i, 0)),
        out_shape=jax.ShapeDtypeStruct((N_NODES, D), jnp.float32),
    )(part, feat, loop_weight, bias2d)


def kernel(feat, edge_index, etypes, weight, loop_weight, bias):
    src = edge_index[0].astype(jnp.int32)
    dst = edge_index[1].astype(jnp.int32)
    et = etypes.astype(jnp.int32)
    zeros = jnp.zeros((N_PAD, D), jnp.float32)

    xw = _make_xw(feat, weight)
    xw_flat = xw.reshape(NUM_RELS * N_NODES, D)
    part = _run_sc(xw_flat, src, et, dst, zeros)
    bias2d = bias.reshape(1, D)
    return _combine(part, feat, loop_weight, bias2d)

# --- scband reference (transcript-rebuilt; emitter-appended) ---
"""Pipeline reference for scband-rgcnlayer-6906307412500 (READ-ONLY COPY).

The authoritative reference and input builder live on the scoring server;
editing this copy changes nothing except your own understanding.
"""

import jax, jax.numpy as jnp
import numpy as np

N_NODES = 10000
N_EDGES = 320000
IN_FEAT = 128
OUT_FEAT = 128
NUM_RELS = 16


def _xavier(key, shape, gain):
    fan_in, fan_out = shape[-2], shape[-1]
    a = gain * np.sqrt(6.0 / (fan_in + fan_out))
    return jax.random.uniform(key, shape, dtype=jnp.float32, minval=-a, maxval=a)


def setup_inputs(seed: int = 0) -> dict:
    key = jax.random.key(seed)
    k1, k2, k3, k4, k5 = jax.random.split(key, 5)
    gain = float(np.sqrt(2.0))  # calculate_gain('relu')
    feat = jax.random.normal(k1, (N_NODES, IN_FEAT), dtype=jnp.float32)
    edge_index = jax.random.randint(k2, (2, N_EDGES), 0, N_NODES, dtype=jnp.int64)
    etypes = jax.random.randint(k3, (N_EDGES,), 0, NUM_RELS, dtype=jnp.int64)
    weight = _xavier(k4, (NUM_RELS, IN_FEAT, OUT_FEAT), gain)
    loop_weight = _xavier(k5, (IN_FEAT, OUT_FEAT), gain)
    bias = jnp.zeros((OUT_FEAT,), dtype=jnp.float32)
    return {"feat": feat, "edge_index": edge_index, "etypes": etypes,
            "weight": weight, "loop_weight": loop_weight, "bias": bias}


def reference(feat, edge_index, etypes, weight, loop_weight, bias):
    # num_bases <= 0 -> use full per-relation weight [R, in, out]
    src = edge_index[0]
    dst = edge_index[1]
    # message: msg_e = feat[src_e] @ weight[etype_e]
    # equivalent: precompute per-node-per-relation transform then gather
    xw = jnp.einsum('nd,rde->nre', feat, weight)          # [N, R, out]
    msg = xw[src, etypes]                                  # [E, out] gather
    # reduce: sum of incoming messages per dst node
    h = jax.ops.segment_sum(msg, dst, num_segments=feat.shape[0])  # scatter-add
    # self loop
    h = h + jnp.matmul(feat, loop_weight)
    # bias
    h = h + bias
    # activation=None, dropout p=0.0 -> identity
    return h

if __name__ == "__main__":
    import jax
    _d = setup_inputs()
    print(jax.jit(kernel)(*tuple(_d.values())))

</pallas_src>

<mosaic_0001>
#map = affine_map<(d0, d1) -> (0, 0)>
#map1 = affine_map<(d0, d1) -> (0)>
#map2 = affine_map<(d0, d1) -> (0, 0, 0)>
module attributes {stable_mosaic.version = 14 : i64} {
  func.func @_sc_body(%arg0: i32, %arg1: i32, %arg2: memref<160000x128xf32, #tpu.memory_space<hbm>>, %arg3: memref<320000xi32, #tpu.memory_space<hbm>>, %arg4: memref<320000xi32, #tpu.memory_space<hbm>>, %arg5: memref<320000xi32, #tpu.memory_space<hbm>>, %arg6: memref<10240x128xf32, #tpu.memory_space<hbm>>, %arg7: memref<2x10240x128xf32, #tpu.memory_space<hbm>>, %arg8: memref<128xi32, #tpu.memory_space<vmem>>, %arg9: memref<128xi32, #tpu.memory_space<vmem>>, %arg10: memref<128xi32, #tpu.memory_space<vmem>>, %arg11: memref<128xi32, #tpu.memory_space<vmem>>, %arg12: memref<128xi32, #tpu.memory_space<vmem>>, %arg13: memref<128xi32, #tpu.memory_space<vmem>>, %arg14: memref<128x128xf32, #tpu.memory_space<vmem>>, %arg15: memref<128x128xf32, #tpu.memory_space<vmem>>, %arg16: memref<10240x128xf32, #tpu.memory_space<vmem_shared>>, %arg17: memref<!tpu.dma_semaphore, #tpu.memory_space<semaphore_mem>>, %arg18: memref<!tpu.dma_semaphore, #tpu.memory_space<semaphore_mem>>, %arg19: memref<!tpu.dma_semaphore, #tpu.memory_space<semaphore_mem>>, %arg20: memref<!tpu.dma_semaphore, #tpu.memory_space<semaphore_mem>>) attributes {dimension_semantics = [#tpu.dimension_semantics<core_parallel>, #tpu.dimension_semantics<subcore_parallel>], iteration_bounds = array<i64: 2, 16>, scalar_prefetch = 0 : i64, scratch_operands = 13 : i64, tpu.core_type = #tpu.core_type<sc_vector_subcore>, window_params = [{transform_indices = #map}, {transform_indices = #map1}, {transform_indices = #map1}, {transform_indices = #map1}, {transform_indices = #map}, {transform_indices = #map2}]} {
    %mul3A = arith.constant 16 : i32
    %mul3A_0 = arith.muli %arg0, %mul3A : i32
    %add3A = arith.addi %mul3A_0, %arg1 : i32
    %mul3A_1 = arith.constant 640 : i32
    %mul3A_2 = arith.muli %arg1, %mul3A_1 : i32
    "tpu.region"() ({
      %run_scoped3A = tpu.sem_alloc : memref<!tpu.dma_semaphore, #tpu.memory_space<semaphore_mem>>
      %dma_start3A = arith.constant 0 : i32
      %dma_start3A_58 = tpu.memref_slice %arg16[%mul3A_2, %dma_start3A] : memref<10240x128xf32, #tpu.memory_space<vmem_shared>> -> memref<640x128xf32, #tpu.memory_space<vmem_shared>>
      %dma_start3A_59 = arith.constant 0 : i32
      %dma_start3A_60 = tpu.memref_slice %arg6[%mul3A_2, %dma_start3A_59] : memref<10240x128xf32, #tpu.memory_space<hbm>> -> memref<640x128xf32, #tpu.memory_space<hbm>>
      tpu.enqueue_dma source(%dma_start3A_60 : memref<640x128xf32, #tpu.memory_space<hbm>>) target(%dma_start3A_58 : memref<640x128xf32, #tpu.memory_space<vmem_shared>>) target_semaphore(%run_scoped3A : memref<!tpu.dma_semaphore, #tpu.memory_space<semaphore_mem>>)
      %dma_wait3A_61 = arith.constant 0 : i32
      %dma_wait3A_62 = tpu.memref_slice %arg16[%mul3A_2, %dma_wait3A_61] : memref<10240x128xf32, #tpu.memory_space<vmem_shared>> -> memref<640x128xf32, #tpu.memory_space<vmem_shared>>
      %dma_wait3A_63 = arith.constant 0 : i32
      %dma_wait3A_64 = tpu.memref_slice %arg6[%mul3A_2, %dma_wait3A_63] : memref<10240x128xf32, #tpu.memory_space<hbm>> -> memref<640x128xf32, #tpu.memory_space<hbm>>
      tpu.wait_dma2 semaphore(%run_scoped3A : memref<!tpu.dma_semaphore, #tpu.memory_space<semaphore_mem>>) src(%dma_wait3A_64 : memref<640x128xf32, #tpu.memory_space<hbm>>) dst(%dma_wait3A_62 : memref<640x128xf32, #tpu.memory_space<vmem_shared>>)
      tpu.yield
    }) : () -> ()
    %barrier3A = arith.constant 0 : index
    tpu.barrier barrier_id(%barrier3A)
    %add3A_3 = arith.constant 0 : i32
    %add3A_4 = arith.addi %add3A_3, %add3A : i32
    %lt3A = arith.constant 2500 : i32
    %lt3A_5 = arith.cmpi slt, %add3A_4, %lt3A : i32
    %convert_element_type3A = arith.extui %lt3A_5 : i1 to i32
    %cond3A = arith.constant 0 : i32
    %cond3A_6 = arith.cmpi ne, %convert_element_type3A, %cond3A : i32
    scf.if %cond3A_6 {
      %mul3A_58 = arith.constant 128 : i32
      %mul3A_59 = arith.muli %add3A_4, %mul3A_58 : i32
      %multiple_of3A = tpu.assume_multiple %mul3A_59, 128 : i32
      "tpu.region"() ({
        %run_scoped3A = tpu.sem_alloc : memref<!tpu.dma_semaphore, #tpu.memory_space<semaphore_mem>>
        %dma_start3A_172 = tpu.memref_slice %arg3[%multiple_of3A] : memref<320000xi32, #tpu.memory_space<hbm>> -> memref<128xi32, #tpu.memory_space<hbm>>
        %dma_start3A_173 = tpu.memref_slice %arg3[%multiple_of3A] : memref<320000xi32, #tpu.memory_space<hbm>> -> memref<128xi32, #tpu.memory_space<hbm>>
        tpu.enqueue_dma source(%dma_start3A_173 : memref<128xi32, #tpu.memory_space<hbm>>) target(%arg12 : memref<128xi32, #tpu.memory_space<vmem>>) target_semaphore(%run_scoped3A : memref<!tpu.dma_semaphore, #tpu.memory_space<semaphore_mem>>)
        %dma_wait3A_174 = tpu.memref_slice %arg3[%multiple_of3A] : memref<320000xi32, #tpu.memory_space<hbm>> -> memref<128xi32, #tpu.memory_space<hbm>>
        %dma_wait3A_175 = tpu.memref_slice %arg3[%multiple_of3A] : memref<320000xi32, #tpu.memory_space<hbm>> -> memref<128xi32, #tpu.memory_space<hbm>>
        tpu.wait_dma2 semaphore(%run_scoped3A : memref<!tpu.dma_semaphore, #tpu.memory_space<semaphore_mem>>) src(%dma_wait3A_175 : memref<128xi32, #tpu.memory_space<hbm>>) dst(%arg12 : memref<128xi32, #tpu.memory_space<vmem>>)
        tpu.yield
      }) : () -> ()
      "tpu.region"() ({
        %run_scoped3A = tpu.sem_alloc : memref<!tpu.dma_semaphore, #tpu.memory_space<semaphore_mem>>
        %dma_start3A_172 = tpu.memref_slice %arg4[%multiple_of3A] : memref<320000xi32, #tpu.memory_space<hbm>> -> memref<128xi32, #tpu.memory_space<hbm>>
        %dma_start3A_173 = tpu.memref_slice %arg4[%multiple_of3A] : memref<320000xi32, #tpu.memory_space<hbm>> -> memref<128xi32, #tpu.memory_space<hbm>>
        tpu.enqueue_dma source(%dma_start3A_173 : memref<128xi32, #tpu.memory_space<hbm>>) target(%arg8 : memref<128xi32, #tpu.memory_space<vmem>>) target_semaphore(%run_scoped3A : memref<!tpu.dma_semaphore, #tpu.memory_space<semaphore_mem>>)
        %dma_wait3A_174 = tpu.memref_slice %arg4[%multiple_of3A] : memref<320000xi32, #tpu.memory_space<hbm>> -> memref<128xi32, #tpu.memory_space<hbm>>
        %dma_wait3A_175 = tpu.memref_slice %arg4[%multiple_of3A] : memref<320000xi32, #tpu.memory_space<hbm>> -> memref<128xi32, #tpu.memory_space<hbm>>
        tpu.wait_dma2 semaphore(%run_scoped3A : memref<!tpu.dma_semaphore, #tpu.memory_space<semaphore_mem>>) src(%dma_wait3A_175 : memref<128xi32, #tpu.memory_space<hbm>>) dst(%arg8 : memref<128xi32, #tpu.memory_space<vmem>>)
        tpu.yield
      }) : () -> ()
      "tpu.region"() ({
        %run_scoped3A = tpu.sem_alloc : memref<!tpu.dma_semaphore, #tpu.memory_space<semaphore_mem>>
        %dma_start3A_172 = tpu.memref_slice %arg5[%multiple_of3A] : memref<320000xi32, #tpu.memory_space<hbm>> -> memref<128xi32, #tpu.memory_space<hbm>>
        %dma_start3A_173 = tpu.memref_slice %arg5[%multiple_of3A] : memref<320000xi32, #tpu.memory_space<hbm>> -> memref<128xi32, #tpu.memory_space<hbm>>
        tpu.enqueue_dma source(%dma_start3A_173 : memref<128xi32, #tpu.memory_space<hbm>>) target(%arg10 : memref<128xi32, #tpu.memory_space<vmem>>) target_semaphore(%run_scoped3A : memref<!tpu.dma_semaphore, #tpu.memory_space<semaphore_mem>>)
        %dma_wait3A_174 = tpu.memref_slice %arg5[%multiple_of3A] : memref<320000xi32, #tpu.memory_space<hbm>> -> memref<128xi32, #tpu.memory_space<hbm>>
        %dma_wait3A_175 = tpu.memref_slice %arg5[%multiple_of3A] : memref<320000xi32, #tpu.memory_space<hbm>> -> memref<128xi32, #tpu.memory_space<hbm>>
        tpu.wait_dma2 semaphore(%run_scoped3A : memref<!tpu.dma_semaphore, #tpu.memory_space<semaphore_mem>>) src(%dma_wait3A_175 : memref<128xi32, #tpu.memory_space<hbm>>) dst(%arg10 : memref<128xi32, #tpu.memory_space<vmem>>)
        tpu.yield
      }) : () -> ()
      %get3A = arith.constant 0 : index
      %get3A_60 = tpu.vector_load %arg8[%get3A] {strides = array<i32>} : memref<128xi32, #tpu.memory_space<vmem>>, vector<16xi32>,
      %get3A_61 = vector.shape_cast %get3A_60 : vector<16xi32> to vector<16xi32>
      %mul3A_62 = arith.constant 10000 : i32
      %mul3A_63 = vector.broadcast %mul3A_62 : i32 to vector<16xi32>
      %mul3A_64 = arith.muli %get3A_61, %mul3A_63 : vector<16xi32>
      %get3A_65 = arith.constant 0 : index
      %get3A_66 = tpu.vector_load %arg12[%get3A_65] {strides = array<i32>} : memref<128xi32, #tpu.memory_space<vmem>>, vector<16xi32>,
      %get3A_67 = vector.shape_cast %get3A_66 : vector<16xi32> to vector<16xi32>
      %add3A_68 = arith.addi %mul3A_64, %get3A_67 : vector<16xi32>
      %swap3A = arith.constant 0 : index
      %swap3A_69 = tpu.vector_load %arg12[%swap3A] {strides = array<i32>} : memref<128xi32, #tpu.memory_space<vmem>>, vector<16xi32>,
      %swap3A_70 = vector.shape_cast %swap3A_69 : vector<16xi32> to vector<16xi32>
      %swap3A_71 = vector.shape_cast %add3A_68 : vector<16xi32> to vector<16xi32>
      tpu.vector_store %arg12[%swap3A], %swap3A_71 {strides = array<i32>} : memref<128xi32, #tpu.memory_space<vmem>>, vector<16xi32>,
      %get3A_72 = arith.constant 16 : index
      %get3A_73 = tpu.vector_load %arg8[%get3A_72] {strides = array<i32>} : memref<128xi32, #tpu.memory_space<vmem>>, vector<16xi32>,
      %get3A_74 = vector.shape_cast %get3A_73 : vector<16xi32> to vector<16xi32>
      %mul3A_75 = arith.constant 10000 : i32
      %mul3A_76 = vector.broadcast %mul3A_75 : i32 to vector<16xi32>
      %mul3A_77 = arith.muli %get3A_74, %mul3A_76 : vector<16xi32>
      %get3A_78 = arith.constant 16 : index
      %get3A_79 = tpu.vector_load %arg12[%get3A_78] {strides = array<i32>} : memref<128xi32, #tpu.memory_space<vmem>>, vector<16xi32>,
      %get3A_80 = vector.shape_cast %get3A_79 : vector<16xi32> to vector<16xi32>
      %add3A_81 = arith.addi %mul3A_77, %get3A_80 : vector<16xi32>
      %swap3A_82 = arith.constant 16 : index
      %swap3A_83 = tpu.vector_load %arg12[%swap3A_82] {strides = array<i32>} : memref<128xi32, #tpu.memory_space<vmem>>, vector<16xi32>,
      %swap3A_84 = vector.shape_cast %swap3A_83 : vector<16xi32> to vector<16xi32>
      %swap3A_85 = vector.shape_cast %add3A_81 : vector<16xi32> to vector<16xi32>
      tpu.vector_store %arg12[%swap3A_82], %swap3A_85 {strides = array<i32>} : memref<128xi32, #tpu.memory_space<vmem>>, vector<16xi32>,
      %get3A_86 = arith.constant 32 : index
      %get3A_87 = tpu.vector_load %arg8[%get3A_86] {strides = array<i32>} : memref<128xi32, #tpu.memory_space<vmem>>, vector<16xi32>,
      %get3A_88 = vector.shape_cast %get3A_87 : vector<16xi32> to vector<16xi32>
      %mul3A_89 = arith.constant 10000 : i32
      %mul3A_90 = vector.broadcast %mul3A_89 : i32 to vector<16xi32>
      %mul3A_91 = arith.muli %get3A_88, %mul3A_90 : vector<16xi32>
      %get3A_92 = arith.constant 32 : index
      %get3A_93 = tpu.vector_load %arg12[%get3A_92] {strides = array<i32>} : memref<128xi32, #tpu.memory_space<vmem>>, vector<16xi32>,
      %get3A_94 = vector.shape_cast %get3A_93 : vector<16xi32> to vector<16xi32>
      %add3A_95 = arith.addi %mul3A_91, %get3A_94 : vector<16xi32>
      %swap3A_96 = arith.constant 32 : index
      %swap3A_97 = tpu.vector_load %arg12[%swap3A_96] {strides = array<i32>} : memref<128xi32, #tpu.memory_space<vmem>>, vector<16xi32>,
      %swap3A_98 = vector.shape_cast %swap3A_97 : vector<16xi32> to vector<16xi32>
      %swap3A_99 = vector.shape_cast %add3A_95 : vector<16xi32> to vector<16xi32>
      tpu.vector_store %arg12[%swap3A_96], %swap3A_99 {strides = array<i32>} : memref<128xi32, #tpu.memory_space<vmem>>, vector<16xi32>,
      %get3A_100 = arith.constant 48 : index
      %get3A_101 = tpu.vector_load %arg8[%get3A_100] {strides = array<i32>} : memref<128xi32, #tpu.memory_space<vmem>>, vector<16xi32>,
      %get3A_102 = vector.shape_cast %get3A_101 : vector<16xi32> to vector<16xi32>
      %mul3A_103 = arith.constant 10000 : i32
      %mul3A_104 = vector.broadcast %mul3A_103 : i32 to vector<16xi32>
      %mul3A_105 = arith.muli %get3A_102, %mul3A_104 : vector<16xi32>
      %get3A_106 = arith.constant 48 : index
      %get3A_107 = tpu.vector_load %arg12[%get3A_106] {strides = array<i32>} : memref<128xi32, #tpu.memory_space<vmem>>, vector<16xi32>,
      %get3A_108 = vector.shape_cast %get3A_107 : vector<16xi32> to vector<16xi32>
      %add3A_109 = arith.addi %mul3A_105, %get3A_108 : vector<16xi32>
      %swap3A_110 = arith.constant 48 : index
      %swap3A_111 = tpu.vector_load %arg12[%swap3A_110] {strides = array<i32>} : memref<128xi32, #tpu.memory_space<vmem>>, vector<16xi32>,
      %swap3A_112 = vector.shape_cast %swap3A_111 : vector<16xi32> to vector<16xi32>
      %swap3A_113 = vector.shape_cast %add3A_109 : vector<16xi32> to vector<16xi32>
      tpu.vector_store %arg12[%swap3A_110], %swap3A_113 {strides = array<i32>} : memref<128xi32, #tpu.memory_space<vmem>>, vector<16xi32>,
      %get3A_114 = arith.constant 64 : index
      %get3A_115 = tpu.vector_load %arg8[%get3A_114] {strides = array<i32>} : memref<128xi32, #tpu.memory_space<vmem>>, vector<16xi32>,
      %get3A_116 = vector.shape_cast %get3A_115 : vector<16xi32> to vector<16xi32>
      %mul3A_117 = arith.constant 10000 : i32
      %mul3A_118 = vector.broadcast %mul3A_117 : i32 to vector<16xi32>
      %mul3A_119 = arith.muli %get3A_116, %mul3A_118 : vector<16xi32>
      %get3A_120 = arith.constant 64 : index
      %get3A_121 = tpu.vector_load %arg12[%get3A_120] {strides = array<i32>} : memref<128xi32, #tpu.memory_space<vmem>>, vector<16xi32>,
      %get3A_122 = vector.shape_cast %get3A_121 : vector<16xi32> to vector<16xi32>
      %add3A_123 = arith.addi %mul3A_119, %get3A_122 : vector<16xi32>
      %swap3A_124 = arith.constant 64 : index
      %swap3A_125 = tpu.vector_load %arg12[%swap3A_124] {strides = array<i32>} : memref<128xi32, #tpu.memory_space<vmem>>, vector<16xi32>,
      %swap3A_126 = vector.shape_cast %swap3A_125 : vector<16xi32> to vector<16xi32>
      %swap3A_127 = vector.shape_cast %add3A_123 : vector<16xi32> to vector<16xi32>
      tpu.vector_store %arg12[%swap3A_124], %swap3A_127 {strides = array<i32>} : memref<128xi32, #tpu.memory_space<vmem>>, vector<16xi32>,
      %get3A_128 = arith.constant 80 : index
      %get3A_129 = tpu.vector_load %arg8[%get3A_128] {strides = array<i32>} : memref<128xi32, #tpu.memory_space<vmem>>, vector<16xi32>,
      %get3A_130 = vector.shape_cast %get3A_129 : vector<16xi32> to vector<16xi32>
      %mul3A_131 = arith.constant 10000 : i32
      %mul3A_132 = vector.broadcast %mul3A_131 : i32 to vector<16xi32>
      %mul3A_133 = arith.muli %get3A_130, %mul3A_132 : vector<16xi32>
      %get3A_134 = arith.constant 80 : index
      %get3A_135 = tpu.vector_load %arg12[%get3A_134] {strides = array<i32>} : memref<128xi32, #tpu.memory_space<vmem>>, vector<16xi32>,
      %get3A_136 = vector.shape_cast %get3A_135 : vector<16xi32> to vector<16xi32>
      %add3A_137 = arith.addi %mul3A_133, %get3A_136 : vector<16xi32>
      %swap3A_138 = arith.constant 80 : index
      %swap3A_139 = tpu.vector_load %arg12[%swap3A_138] {strides = array<i32>} : memref<128xi32, #tpu.memory_space<vmem>>, vector<16xi32>,
      %swap3A_140 = vector.shape_cast %swap3A_139 : vector<16xi32> to vector<16xi32>
      %swap3A_141 = vector.shape_cast %add3A_137 : vector<16xi32> to vector<16xi32>
      tpu.vector_store %arg12[%swap3A_138], %swap3A_141 {strides = array<i32>} : memref<128xi32, #tpu.memory_space<vmem>>, vector<16xi32>,
      %get3A_142 = arith.constant 96 : index
      %get3A_143 = tpu.vector_load %arg8[%get3A_142] {strides = array<i32>} : memref<128xi32, #tpu.memory_space<vmem>>, vector<16xi32>,
      %get3A_144 = vector.shape_cast %get3A_143 : vector<16xi32> to vector<16xi32>
      %mul3A_145 = arith.constant 10000 : i32
      %mul3A_146 = vector.broadcast %mul3A_145 : i32 to vector<16xi32>
      %mul3A_147 = arith.muli %get3A_144, %mul3A_146 : vector<16xi32>
      %get3A_148 = arith.constant 96 : index
      %get3A_149 = tpu.vector_load %arg12[%get3A_148] {strides = array<i32>} : memref<128xi32, #tpu.memory_space<vmem>>, vector<16xi32>,
      %get3A_150 = vector.shape_cast %get3A_149 : vector<16xi32> to vector<16xi32>
      %add3A_151 = arith.addi %mul3A_147, %get3A_150 : vector<16xi32>
      %swap3A_152 = arith.constant 96 : index
      %swap3A_153 = tpu.vector_load %arg12[%swap3A_152] {strides = array<i32>} : memref<128xi32, #tpu.memory_space<vmem>>, vector<16xi32>,
      %swap3A_154 = vector.shape_cast %swap3A_153 : vector<16xi32> to vector<16xi32>
      %swap3A_155 = vector.shape_cast %add3A_151 : vector<16xi32> to vector<16xi32>
      tpu.vector_store %arg12[%swap3A_152], %swap3A_155 {strides = array<i32>} : memref<128xi32, #tpu.memory_space<vmem>>, vector<16xi32>,
      %get3A_156 = arith.constant 112 : index
      %get3A_157 = tpu.vector_load %arg8[%get3A_156] {strides = array<i32>} : memref<128xi32, #tpu.memory_space<vmem>>, vector<16xi32>,
      %get3A_158 = vector.shape_cast %get3A_157 : vector<16xi32> to vector<16xi32>
      %mul3A_159 = arith.constant 10000 : i32
      %mul3A_160 = vector.broadcast %mul3A_159 : i32 to vector<16xi32>
      %mul3A_161 = arith.muli %get3A_158, %mul3A_160 : vector<16xi32>
      %get3A_162 = arith.constant 112 : index
      %get3A_163 = tpu.vector_load %arg12[%get3A_162] {strides = array<i32>} : memref<128xi32, #tpu.memory_space<vmem>>, vector<16xi32>,
      %get3A_164 = vector.shape_cast %get3A_163 : vector<16xi32> to vector<16xi32>
      %add3A_165 = arith.addi %mul3A_161, %get3A_164 : vector<16xi32>
      %swap3A_166 = arith.constant 112 : index
      %swap3A_167 = tpu.vector_load %arg12[%swap3A_166] {strides = array<i32>} : memref<128xi32, #tpu.memory_space<vmem>>, vector<16xi32>,
      %swap3A_168 = vector.shape_cast %swap3A_167 : vector<16xi32> to vector<16xi32>
      %swap3A_169 = vector.shape_cast %add3A_165 : vector<16xi32> to vector<16xi32>
      tpu.vector_store %arg12[%swap3A_166], %swap3A_169 {strides = array<i32>} : memref<128xi32, #tpu.memory_space<vmem>>, vector<16xi32>,
      %dma_start3A = arith.constant 0 : i32
      %dma_start3A_170 = arith.constant 0 : i32
      %dma_start3A_171 = tpu.memref_slice %arg2[%dma_start3A, %dma_start3A_170] : memref<160000x128xf32, #tpu.memory_space<hbm>> -> memref<160000x128xf32, #tpu.memory_space<hbm>>
      tpu.enqueue_indirect_dma source(%dma_start3A_171 : memref<160000x128xf32, #tpu.memory_space<hbm>>) target(%arg14 : memref<128x128xf32, #tpu.memory_space<vmem>>) offsets(%arg12 : memref<128xi32, #tpu.memory_space<vmem>>) semaphore(%arg17 : memref<!tpu.dma_semaphore, #tpu.memory_space<semaphore_mem>>)
    } else {
    }
    %add3A_7 = arith.constant 32 : i32
    %add3A_8 = arith.addi %add3A_7, %add3A : i32
    %lt3A_9 = arith.constant 2500 : i32
    %lt3A_10 = arith.cmpi slt, %add3A_8, %lt3A_9 : i32
    %convert_element_type3A_11 = arith.extui %lt3A_10 : i1 to i32
    %cond3A_12 = arith.constant 0 : i32
    %cond3A_13 = arith.cmpi ne, %convert_element_type3A_11, %cond3A_12 : i32
    scf.if %cond3A_13 {
      %mul3A_58 = arith.constant 128 : i32
      %mul3A_59 = arith.muli %add3A_8, %mul3A_58 : i32
      %multiple_of3A = tpu.assume_multiple %mul3A_59, 128 : i32
      "tpu.region"() ({
        %run_scoped3A = tpu.sem_alloc : memref<!tpu.dma_semaphore, #tpu.memory_space<semaphore_mem>>
        %dma_start3A_172 = tpu.memref_slice %arg3[%multiple_of3A] : memref<320000xi32, #tpu.memory_space<hbm>> -> memref<128xi32, #tpu.memory_space<hbm>>
        %dma_start3A_173 = tpu.memref_slice %arg3[%multiple_of3A] : memref<320000xi32, #tpu.memory_space<hbm>> -> memref<128xi32, #tpu.memory_space<hbm>>
        tpu.enqueue_dma source(%dma_start3A_173 : memref<128xi32, #tpu.memory_space<hbm>>) target(%arg13 : memref<128xi32, #tpu.memory_space<vmem>>) target_semaphore(%run_scoped3A : memref<!tpu.dma_semaphore, #tpu.memory_space<semaphore_mem>>)
        %dma_wait3A_174 = tpu.memref_slice %arg3[%multiple_of3A] : memref<320000xi32, #tpu.memory_space<hbm>> -> memref<128xi32, #tpu.memory_space<hbm>>
        %dma_wait3A_175 = tpu.memref_slice %arg3[%multiple_of3A] : memref<320000xi32, #tpu.memory_space<hbm>> -> memref<128xi32, #tpu.memory_space<hbm>>
        tpu.wait_dma2 semaphore(%run_scoped3A : memref<!tpu.dma_semaphore, #tpu.memory_space<semaphore_mem>>) src(%dma_wait3A_175 : memref<128xi32, #tpu.memory_space<hbm>>) dst(%arg13 : memref<128xi32, #tpu.memory_space<vmem>>)
        tpu.yield
      }) : () -> ()
      "tpu.region"() ({
        %run_scoped3A = tpu.sem_alloc : memref<!tpu.dma_semaphore, #tpu.memory_space<semaphore_mem>>
        %dma_start3A_172 = tpu.memref_slice %arg4[%multiple_of3A] : memref<320000xi32, #tpu.memory_space<hbm>> -> memref<128xi32, #tpu.memory_space<hbm>>
        %dma_start3A_173 = tpu.memref_slice %arg4[%multiple_of3A] : memref<320000xi32, #tpu.memory_space<hbm>> -> memref<128xi32, #tpu.memory_space<hbm>>
        tpu.enqueue_dma source(%dma_start3A_173 : memref<128xi32, #tpu.memory_space<hbm>>) target(%arg9 : memref<128xi32, #tpu.memory_space<vmem>>) target_semaphore(%run_scoped3A : memref<!tpu.dma_semaphore, #tpu.memory_space<semaphore_mem>>)
        %dma_wait3A_174 = tpu.memref_slice %arg4[%multiple_of3A] : memref<320000xi32, #tpu.memory_space<hbm>> -> memref<128xi32, #tpu.memory_space<hbm>>
        %dma_wait3A_175 = tpu.memref_slice %arg4[%multiple_of3A] : memref<320000xi32, #tpu.memory_space<hbm>> -> memref<128xi32, #tpu.memory_space<hbm>>
        tpu.wait_dma2 semaphore(%run_scoped3A : memref<!tpu.dma_semaphore, #tpu.memory_space<semaphore_mem>>) src(%dma_wait3A_175 : memref<128xi32, #tpu.memory_space<hbm>>) dst(%arg9 : memref<128xi32, #tpu.memory_space<vmem>>)
        tpu.yield
      }) : () -> ()
      "tpu.region"() ({
        %run_scoped3A = tpu.sem_alloc : memref<!tpu.dma_semaphore, #tpu.memory_space<semaphore_mem>>
        %dma_start3A_172 = tpu.memref_slice %arg5[%multiple_of3A] : memref<320000xi32, #tpu.memory_space<hbm>> -> memref<128xi32, #tpu.memory_space<hbm>>
        %dma_start3A_173 = tpu.memref_slice %arg5[%multiple_of3A] : memref<320000xi32, #tpu.memory_space<hbm>> -> memref<128xi32, #tpu.memory_space<hbm>>
        tpu.enqueue_dma source(%dma_start3A_173 : memref<128xi32, #tpu.memory_space<hbm>>) target(%arg11 : memref<128xi32, #tpu.memory_space<vmem>>) target_semaphore(%run_scoped3A : memref<!tpu.dma_semaphore, #tpu.memory_space<semaphore_mem>>)
        %dma_wait3A_174 = tpu.memref_slice %arg5[%multiple_of3A] : memref<320000xi32, #tpu.memory_space<hbm>> -> memref<128xi32, #tpu.memory_space<hbm>>
        %dma_wait3A_175 = tpu.memref_slice %arg5[%multiple_of3A] : memref<320000xi32, #tpu.memory_space<hbm>> -> memref<128xi32, #tpu.memory_space<hbm>>
        tpu.wait_dma2 semaphore(%run_scoped3A : memref<!tpu.dma_semaphore, #tpu.memory_space<semaphore_mem>>) src(%dma_wait3A_175 : memref<128xi32, #tpu.memory_space<hbm>>) dst(%arg11 : memref<128xi32, #tpu.memory_space<vmem>>)
        tpu.yield
      }) : () -> ()
      %get3A = arith.constant 0 : index
      %get3A_60 = tpu.vector_load %arg9[%get3A] {strides = array<i32>} : memref<128xi32, #tpu.memory_space<vmem>>, vector<16xi32>,
      %get3A_61 = vector.shape_cast %get3A_60 : vector<16xi32> to vector<16xi32>
      %mul3A_62 = arith.constant 10000 : i32
      %mul3A_63 = vector.broadcast %mul3A_62 : i32 to vector<16xi32>
      %mul3A_64 = arith.muli %get3A_61, %mul3A_63 : vector<16xi32>
      %get3A_65 = arith.constant 0 : index
      %get3A_66 = tpu.vector_load %arg13[%get3A_65] {strides = array<i32>} : memref<128xi32, #tpu.memory_space<vmem>>, vector<16xi32>,
      %get3A_67 = vector.shape_cast %get3A_66 : vector<16xi32> to vector<16xi32>
      %add3A_68 = arith.addi %mul3A_64, %get3A_67 : vector<16xi32>
      %swap3A = arith.constant 0 : index
      %swap3A_69 = tpu.vector_load %arg13[%swap3A] {strides = array<i32>} : memref<128xi32, #tpu.memory_space<vmem>>, vector<16xi32>,
      %swap3A_70 = vector.shape_cast %swap3A_69 : vector<16xi32> to vector<16xi32>
      %swap3A_71 = vector.shape_cast %add3A_68 : vector<16xi32> to vector<16xi32>
      tpu.vector_store %arg13[%swap3A], %swap3A_71 {strides = array<i32>} : memref<128xi32, #tpu.memory_space<vmem>>, vector<16xi32>,
      %get3A_72 = arith.constant 16 : index
      %get3A_73 = tpu.vector_load %arg9[%get3A_72] {strides = array<i32>} : memref<128xi32, #tpu.memory_space<vmem>>, vector<16xi32>,
      %get3A_74 = vector.shape_cast %get3A_73 : vector<16xi32> to vector<16xi32>
      %mul3A_75 = arith.constant 10000 : i32
      %mul3A_76 = vector.broadcast %mul3A_75 : i32 to vector<16xi32>
      %mul3A_77 = arith.muli %get3A_74, %mul3A_76 : vector<16xi32>
      %get3A_78 = arith.constant 16 : index
      %get3A_79 = tpu.vector_load %arg13[%get3A_78] {strides = array<i32>} : memref<128xi32, #tpu.memory_space<vmem>>, vector<16xi32>,
      %get3A_80 = vector.shape_cast %get3A_79 : vector<16xi32> to vector<16xi32>
      %add3A_81 = arith.addi %mul3A_77, %get3A_80 : vector<16xi32>
      %swap3A_82 = arith.constant 16 : index
      %swap3A_83 = tpu.vector_load %arg13[%swap3A_82] {strides = array<i32>} : memref<128xi32, #tpu.memory_space<vmem>>, vector<16xi32>,
      %swap3A_84 = vector.shape_cast %swap3A_83 : vector<16xi32> to vector<16xi32>
      %swap3A_85 = vector.shape_cast %add3A_81 : vector<16xi32> to vector<16xi32>
      tpu.vector_store %arg13[%swap3A_82], %swap3A_85 {strides = array<i32>} : memref<128xi32, #tpu.memory_space<vmem>>, vector<16xi32>,
      %get3A_86 = arith.constant 32 : index
      %get3A_87 = tpu.vector_load %arg9[%get3A_86] {strides = array<i32>} : memref<128xi32, #tpu.memory_space<vmem>>, vector<16xi32>,
      %get3A_88 = vector.shape_cast %get3A_87 : vector<16xi32> to vector<16xi32>
      %mul3A_89 = arith.constant 10000 : i32
      %mul3A_90 = vector.broadcast %mul3A_89 : i32 to vector<16xi32>
      %mul3A_91 = arith.muli %get3A_88, %mul3A_90 : vector<16xi32>
      %get3A_92 = arith.constant 32 : index
      %get3A_93 = tpu.vector_load %arg13[%get3A_92] {strides = array<i32>} : memref<128xi32, #tpu.memory_space<vmem>>, vector<16xi32>,
      %get3A_94 = vector.shape_cast %get3A_93 : vector<16xi32> to vector<16xi32>
      %add3A_95 = arith.addi %mul3A_91, %get3A_94 : vector<16xi32>
      %swap3A_96 = arith.constant 32 : index
      %swap3A_97 = tpu.vector_load %arg13[%swap3A_96] {strides = array<i32>} : memref<128xi32, #tpu.memory_space<vmem>>, vector<16xi32>,
      %swap3A_98 = vector.shape_cast %swap3A_97 : vector<16xi32> to vector<16xi32>
      %swap3A_99 = vector.shape_cast %add3A_95 : vector<16xi32> to vector<16xi32>
      tpu.vector_store %arg13[%swap3A_96], %swap3A_99 {strides = array<i32>} : memref<128xi32, #tpu.memory_space<vmem>>, vector<16xi32>,
      %get3A_100 = arith.constant 48 : index
      %get3A_101 = tpu.vector_load %arg9[%get3A_100] {strides = array<i32>} : memref<128xi32, #tpu.memory_space<vmem>>, vector<16xi32>,
      %get3A_102 = vector.shape_cast %get3A_101 : vector<16xi32> to vector<16xi32>
      %mul3A_103 = arith.constant 10000 : i32
      %mul3A_104 = vector.broadcast %mul3A_103 : i32 to vector<16xi32>
      %mul3A_105 = arith.muli %get3A_102, %mul3A_104 : vector<16xi32>
      %get3A_106 = arith.constant 48 : index
      %get3A_107 = tpu.vector_load %arg13[%get3A_106] {strides = array<i32>} : memref<128xi32, #tpu.memory_space<vmem>>, vector<16xi32>,
      %get3A_108 = vector.shape_cast %get3A_107 : vector<16xi32> to vector<16xi32>
      %add3A_109 = arith.addi %mul3A_105, %get3A_108 : vector<16xi32>
      %swap3A_110 = arith.constant 48 : index
      %swap3A_111 = tpu.vector_load %arg13[%swap3A_110] {strides = array<i32>} : memref<128xi32, #tpu.memory_space<vmem>>, vector<16xi32>,
      %swap3A_112 = vector.shape_cast %swap3A_111 : vector<16xi32> to vector<16xi32>
      %swap3A_113 = vector.shape_cast %add3A_109 : vector<16xi32> to vector<16xi32>
      tpu.vector_store %arg13[%swap3A_110], %swap3A_113 {strides = array<i32>} : memref<128xi32, #tpu.memory_space<vmem>>, vector<16xi32>,
      %get3A_114 = arith.constant 64 : index
      %get3A_115 = tpu.vector_load %arg9[%get3A_114] {strides = array<i32>} : memref<128xi32, #tpu.memory_space<vmem>>, vector<16xi32>,
      %get3A_116 = vector.shape_cast %get3A_115 : vector<16xi32> to vector<16xi32>
      %mul3A_117 = arith.constant 10000 : i32
      %mul3A_118 = vector.broadcast %mul3A_117 : i32 to vector<16xi32>
      %mul3A_119 = arith.muli %get3A_116, %mul3A_118 : vector<16xi32>
      %get3A_120 = arith.constant 64 : index
      %get3A_121 = tpu.vector_load %arg13[%get3A_120] {strides = array<i32>} : memref<128xi32, #tpu.memory_space<vmem>>, vector<16xi32>,
      %get3A_122 = vector.shape_cast %get3A_121 : vector<16xi32> to vector<16xi32>
      %add3A_123 = arith.addi %mul3A_119, %get3A_122 : vector<16xi32>
      %swap3A_124 = arith.constant 64 : index
      %swap3A_125 = tpu.vector_load %arg13[%swap3A_124] {strides = array<i32>} : memref<128xi32, #tpu.memory_space<vmem>>, vector<16xi32>,
      %swap3A_126 = vector.shape_cast %swap3A_125 : vector<16xi32> to vector<16xi32>
      %swap3A_127 = vector.shape_cast %add3A_123 : vector<16xi32> to vector<16xi32>
      tpu.vector_store %arg13[%swap3A_124], %swap3A_127 {strides = array<i32>} : memref<128xi32, #tpu.memory_space<vmem>>, vector<16xi32>,
      %get3A_128 = arith.constant 80 : index
      %get3A_129 = tpu.vector_load %arg9[%get3A_128] {strides = array<i32>} : memref<128xi32, #tpu.memory_space<vmem>>, vector<16xi32>,
      %get3A_130 = vector.shape_cast %get3A_129 : vector<16xi32> to vector<16xi32>
      %mul3A_131 = arith.constant 10000 : i32
      %mul3A_132 = vector.broadcast %mul3A_131 : i32 to vector<16xi32>
      %mul3A_133 = arith.muli %get3A_130, %mul3A_132 : vector<16xi32>
      %get3A_134 = arith.constant 80 : index
      %get3A_135 = tpu.vector_load %arg13[%get3A_134] {strides = array<i32>} : memref<128xi32, #tpu.memory_space<vmem>>, vector<16xi32>,
      %get3A_136 = vector.shape_cast %get3A_135 : vector<16xi32> to vector<16xi32>
      %add3A_137 = arith.addi %mul3A_133, %get3A_136 : vector<16xi32>
      %swap3A_138 = arith.constant 80 : index
      %swap3A_139 = tpu.vector_load %arg13[%swap3A_138] {strides = array<i32>} : memref<128xi32, #tpu.memory_space<vmem>>, vector<16xi32>,
      %swap3A_140 = vector.shape_cast %swap3A_139 : vector<16xi32> to vector<16xi32>
      %swap3A_141 = vector.shape_cast %add3A_137 : vector<16xi32> to vector<16xi32>
      tpu.vector_store %arg13[%swap3A_138], %swap3A_141 {strides = array<i32>} : memref<128xi32, #tpu.memory_space<vmem>>, vector<16xi32>,
      %get3A_142 = arith.constant 96 : index
      %get3A_143 = tpu.vector_load %arg9[%get3A_142] {strides = array<i32>} : memref<128xi32, #tpu.memory_space<vmem>>, vector<16xi32>,
      %get3A_144 = vector.shape_cast %get3A_143 : vector<16xi32> to vector<16xi32>
      %mul3A_145 = arith.constant 10000 : i32
      %mul3A_146 = vector.broadcast %mul3A_145 : i32 to vector<16xi32>
      %mul3A_147 = arith.muli %get3A_144, %mul3A_146 : vector<16xi32>
      %get3A_148 = arith.constant 96 : index
      %get3A_149 = tpu.vector_load %arg13[%get3A_148] {strides = array<i32>} : memref<128xi32, #tpu.memory_space<vmem>>, vector<16xi32>,
      %get3A_150 = vector.shape_cast %get3A_149 : vector<16xi32> to vector<16xi32>
      %add3A_151 = arith.addi %mul3A_147, %get3A_150 : vector<16xi32>
      %swap3A_152 = arith.constant 96 : index
      %swap3A_153 = tpu.vector_load %arg13[%swap3A_152] {strides = array<i32>} : memref<128xi32, #tpu.memory_space<vmem>>, vector<16xi32>,
      %swap3A_154 = vector.shape_cast %swap3A_153 : vector<16xi32> to vector<16xi32>
      %swap3A_155 = vector.shape_cast %add3A_151 : vector<16xi32> to vector<16xi32>
      tpu.vector_store %arg13[%swap3A_152], %swap3A_155 {strides = array<i32>} : memref<128xi32, #tpu.memory_space<vmem>>, vector<16xi32>,
      %get3A_156 = arith.constant 112 : index
      %get3A_157 = tpu.vector_load %arg9[%get3A_156] {strides = array<i32>} : memref<128xi32, #tpu.memory_space<vmem>>, vector<16xi32>,
      %get3A_158 = vector.shape_cast %get3A_157 : vector<16xi32> to vector<16xi32>
      %mul3A_159 = arith.constant 10000 : i32
      %mul3A_160 = vector.broadcast %mul3A_159 : i32 to vector<16xi32>
      %mul3A_161 = arith.muli %get3A_158, %mul3A_160 : vector<16xi32>
      %get3A_162 = arith.constant 112 : index
      %get3A_163 = tpu.vector_load %arg13[%get3A_162] {strides = array<i32>} : memref<128xi32, #tpu.memory_space<vmem>>, vector<16xi32>,
      %get3A_164 = vector.shape_cast %get3A_163 : vector<16xi32> to vector<16xi32>
      %add3A_165 = arith.addi %mul3A_161, %get3A_164 : vector<16xi32>
      %swap3A_166 = arith.constant 112 : index
      %swap3A_167 = tpu.vector_load %arg13[%swap3A_166] {strides = array<i32>} : memref<128xi32, #tpu.memory_space<vmem>>, vector<16xi32>,
      %swap3A_168 = vector.shape_cast %swap3A_167 : vector<16xi32> to vector<16xi32>
      %swap3A_169 = vector.shape_cast %add3A_165 : vector<16xi32> to vector<16xi32>
      tpu.vector_store %arg13[%swap3A_166], %swap3A_169 {strides = array<i32>} : memref<128xi32, #tpu.memory_space<vmem>>, vector<16xi32>,
      %dma_start3A = arith.constant 0 : i32
      %dma_start3A_170 = arith.constant 0 : i32
      %dma_start3A_171 = tpu.memref_slice %arg2[%dma_start3A, %dma_start3A_170] : memref<160000x128xf32, #tpu.memory_space<hbm>> -> memref<160000x128xf32, #tpu.memory_space<hbm>>
      tpu.enqueue_indirect_dma source(%dma_start3A_171 : memref<160000x128xf32, #tpu.memory_space<hbm>>) target(%arg15 : memref<128x128xf32, #tpu.memory_space<vmem>>) offsets(%arg13 : memref<128xi32, #tpu.memory_space<vmem>>) semaphore(%arg18 : memref<!tpu.dma_semaphore, #tpu.memory_space<semaphore_mem>>)
    } else {
    }
    %add3A_14 = arith.constant 0 : i32
    %add3A_15 = arith.addi %add3A_14, %add3A : i32
    %lt3A_16 = arith.constant 2500 : i32
    %lt3A_17 = arith.cmpi slt, %add3A_15, %lt3A_16 : i32
    %convert_element_type3A_18 = arith.extui %lt3A_17 : i1 to i32
    %cond3A_19 = arith.constant 0 : i32
    %cond3A_20 = arith.cmpi ne, %convert_element_type3A_18, %cond3A_19 : i32
    scf.if %cond3A_20 {
      %dma_wait3A_58 = arith.constant 0 : i32
      %dma_wait3A_59 = arith.constant 0 : i32
      %dma_wait3A_60 = tpu.memref_slice %arg2[%dma_wait3A_58, %dma_wait3A_59] : memref<160000x128xf32, #tpu.memory_space<hbm>> -> memref<128x128xf32, #tpu.memory_space<hbm>>
      %dma_wait3A_61 = arith.constant 0 : i32
      %dma_wait3A_62 = arith.constant 0 : i32
      %dma_wait3A_63 = tpu.memref_slice %arg2[%dma_wait3A_61, %dma_wait3A_62] : memref<160000x128xf32, #tpu.memory_space<hbm>> -> memref<128x128xf32, #tpu.memory_space<hbm>>
      tpu.wait_dma2 semaphore(%arg17 : memref<!tpu.dma_semaphore, #tpu.memory_space<semaphore_mem>>) src(%dma_wait3A_63 : memref<128x128xf32, #tpu.memory_space<hbm>>) dst(%arg14 : memref<128x128xf32, #tpu.memory_space<vmem>>)
      %dma_start3A = arith.constant 0 : i32
      %dma_start3A_64 = arith.constant 0 : i32
      %dma_start3A_65 = tpu.memref_slice %arg16[%dma_start3A, %dma_start3A_64] : memref<10240x128xf32, #tpu.memory_space<vmem_shared>> -> memref<10240x128xf32, #tpu.memory_space<vmem_shared>>
      tpu.enqueue_indirect_dma source(%arg14 : memref<128x128xf32, #tpu.memory_space<vmem>>) target(%dma_start3A_65 : memref<10240x128xf32, #tpu.memory_space<vmem_shared>>) offsets(%arg10 : memref<128xi32, #tpu.memory_space<vmem>>) semaphore(%arg19 : memref<!tpu.dma_semaphore, #tpu.memory_space<semaphore_mem>>) {add = true}
    } else {
    }
    %add3A_21 = arith.constant 64 : i32
    %add3A_22 = arith.addi %add3A_21, %add3A : i32
    %lt3A_23 = arith.constant 2500 : i32
    %lt3A_24 = arith.cmpi slt, %add3A_22, %lt3A_23 : i32
    %convert_element_type3A_25 = arith.extui %lt3A_24 : i1 to i32
    %cond3A_26 = arith.constant 0 : i32
    %cond3A_27 = arith.cmpi ne, %convert_element_type3A_25, %cond3A_26 : i32
    scf.if %cond3A_27 {
      %mul3A_58 = arith.constant 128 : i32
      %mul3A_59 = arith.muli %add3A_22, %mul3A_58 : i32
      %multiple_of3A = tpu.assume_multiple %mul3A_59, 128 : i32
      "tpu.region"() ({
        %run_scoped3A = tpu.sem_alloc : memref<!tpu.dma_semaphore, #tpu.memory_space<semaphore_mem>>
        %dma_start3A_178 = tpu.memref_slice %arg3[%multiple_of3A] : memref<320000xi32, #tpu.memory_space<hbm>> -> memref<128xi32, #tpu.memory_space<hbm>>
        %dma_start3A_179 = tpu.memref_slice %arg3[%multiple_of3A] : memref<320000xi32, #tpu.memory_space<hbm>> -> memref<128xi32, #tpu.memory_space<hbm>>
        tpu.enqueue_dma source(%dma_start3A_179 : memref<128xi32, #tpu.memory_space<hbm>>) target(%arg12 : memref<128xi32, #tpu.memory_space<vmem>>) target_semaphore(%run_scoped3A : memref<!tpu.dma_semaphore, #tpu.memory_space<semaphore_mem>>)
        %dma_wait3A_180 = tpu.memref_slice %arg3[%multiple_of3A] : memref<320000xi32, #tpu.memory_space<hbm>> -> memref<128xi32, #tpu.memory_space<hbm>>
        %dma_wait3A_181 = tpu.memref_slice %arg3[%multiple_of3A] : memref<320000xi32, #tpu.memory_space<hbm>> -> memref<128xi32, #tpu.memory_space<hbm>>
        tpu.wait_dma2 semaphore(%run_scoped3A : memref<!tpu.dma_semaphore, #tpu.memory_space<semaphore_mem>>) src(%dma_wait3A_181 : memref<128xi32, #tpu.memory_space<hbm>>) dst(%arg12 : memref<128xi32, #tpu.memory_space<vmem>>)
        tpu.yield
      }) : () -> ()
      "tpu.region"() ({
        %run_scoped3A = tpu.sem_alloc : memref<!tpu.dma_semaphore, #tpu.memory_space<semaphore_mem>>
        %dma_start3A_178 = tpu.memref_slice %arg4[%multiple_of3A] : memref<320000xi32, #tpu.memory_space<hbm>> -> memref<128xi32, #tpu.memory_space<hbm>>
        %dma_start3A_179 = tpu.memref_slice %arg4[%multiple_of3A] : memref<320000xi32, #tpu.memory_space<hbm>> -> memref<128xi32, #tpu.memory_space<hbm>>
        tpu.enqueue_dma source(%dma_start3A_179 : memref<128xi32, #tpu.memory_space<hbm>>) target(%arg8 : memref<128xi32, #tpu.memory_space<vmem>>) target_semaphore(%run_scoped3A : memref<!tpu.dma_semaphore, #tpu.memory_space<semaphore_mem>>)
        %dma_wait3A_180 = tpu.memref_slice %arg4[%multiple_of3A] : memref<320000xi32, #tpu.memory_space<hbm>> -> memref<128xi32, #tpu.memory_space<hbm>>
        %dma_wait3A_181 = tpu.memref_slice %arg4[%multiple_of3A] : memref<320000xi32, #tpu.memory_space<hbm>> -> memref<128xi32, #tpu.memory_space<hbm>>
        tpu.wait_dma2 semaphore(%run_scoped3A : memref<!tpu.dma_semaphore, #tpu.memory_space<semaphore_mem>>) src(%dma_wait3A_181 : memref<128xi32, #tpu.memory_space<hbm>>) dst(%arg8 : memref<128xi32, #tpu.memory_space<vmem>>)
        tpu.yield
      }) : () -> ()
      "tpu.region"() ({
        %run_scoped3A = tpu.sem_alloc : memref<!tpu.dma_semaphore, #tpu.memory_space<semaphore_mem>>
        %dma_start3A_178 = tpu.memref_slice %arg5[%multiple_of3A] : memref<320000xi32, #tpu.memory_space<hbm>> -> memref<128xi32, #tpu.memory_space<hbm>>
        %dma_start3A_179 = tpu.memref_slice %arg5[%multiple_of3A] : memref<320000xi32, #tpu.memory_space<hbm>> -> memref<128xi32, #tpu.memory_space<hbm>>
        tpu.enqueue_dma source(%dma_start3A_179 : memref<128xi32, #tpu.memory_space<hbm>>) target(%arg10 : memref<128xi32, #tpu.memory_space<vmem>>) target_semaphore(%run_scoped3A : memref<!tpu.dma_semaphore, #tpu.memory_space<semaphore_mem>>)
        %dma_wait3A_180 = tpu.memref_slice %arg5[%multiple_of3A] : memref<320000xi32, #tpu.memory_space<hbm>> -> memref<128xi32, #tpu.memory_space<hbm>>
        %dma_wait3A_181 = tpu.memref_slice %arg5[%multiple_of3A] : memref<320000xi32, #tpu.memory_space<hbm>> -> memref<128xi32, #tpu.memory_space<hbm>>
        tpu.wait_dma2 semaphore(%run_scoped3A : memref<!tpu.dma_semaphore, #tpu.memory_space<semaphore_mem>>) src(%dma_wait3A_181 : memref<128xi32, #tpu.memory_space<hbm>>) dst(%arg10 : memref<128xi32, #tpu.memory_space<vmem>>)
        tpu.yield
      }) : () -> ()
      %get3A = arith.constant 0 : index
      %get3A_60 = tpu.vector_load %arg8[%get3A] {strides = array<i32>} : memref<128xi32, #tpu.memory_space<vmem>>, vector<16xi32>,
      %get3A_61 = vector.shape_cast %get3A_60 : vector<16xi32> to vector<16xi32>
      %mul3A_62 = arith.constant 10000 : i32
      %mul3A_63 = vector.broadcast %mul3A_62 : i32 to vector<16xi32>
      %mul3A_64 = arith.muli %get3A_61, %mul3A_63 : vector<16xi32>
      %get3A_65 = arith.constant 0 : index
      %get3A_66 = tpu.vector_load %arg12[%get3A_65] {strides = array<i32>} : memref<128xi32, #tpu.memory_space<vmem>>, vector<16xi32>,
      %get3A_67 = vector.shape_cast %get3A_66 : vector<16xi32> to vector<16xi32>
      %add3A_68 = arith.addi %mul3A_64, %get3A_67 : vector<16xi32>
      %swap3A = arith.constant 0 : index
      %swap3A_69 = tpu.vector_load %arg12[%swap3A] {strides = array<i32>} : memref<128xi32, #tpu.memory_space<vmem>>, vector<16xi32>,
      %swap3A_70 = vector.shape_cast %swap3A_69 : vector<16xi32> to vector<16xi32>
      %swap3A_71 = vector.shape_cast %add3A_68 : vector<16xi32> to vector<16xi32>
      tpu.vector_store %arg12[%swap3A], %swap3A_71 {strides = array<i32>} : memref<128xi32, #tpu.memory_space<vmem>>, vector<16xi32>,
      %get3A_72 = arith.constant 16 : index
      %get3A_73 = tpu.vector_load %arg8[%get3A_72] {strides = array<i32>} : memref<128xi32, #tpu.memory_space<vmem>>, vector<16xi32>,
      %get3A_74 = vector.shape_cast %get3A_73 : vector<16xi32> to vector<16xi32>
      %mul3A_75 = arith.constant 10000 : i32
      %mul3A_76 = vector.broadcast %mul3A_75 : i32 to vector<16xi32>
      %mul3A_77 = arith.muli %get3A_74, %mul3A_76 : vector<16xi32>
      %get3A_78 = arith.constant 16 : index
      %get3A_79 = tpu.vector_load %arg12[%get3A_78] {strides = array<i32>} : memref<128xi32, #tpu.memory_space<vmem>>, vector<16xi32>,
      %get3A_80 = vector.shape_cast %get3A_79 : vector<16xi32> to vector<16xi32>
      %add3A_81 = arith.addi %mul3A_77, %get3A_80 : vector<16xi32>
      %swap3A_82 = arith.constant 16 : index
      %swap3A_83 = tpu.vector_load %arg12[%swap3A_82] {strides = array<i32>} : memref<128xi32, #tpu.memory_space<vmem>>, vector<16xi32>,
      %swap3A_84 = vector.shape_cast %swap3A_83 : vector<16xi32> to vector<16xi32>
      %swap3A_85 = vector.shape_cast %add3A_81 : vector<16xi32> to vector<16xi32>
      tpu.vector_store %arg12[%swap3A_82], %swap3A_85 {strides = array<i32>} : memref<128xi32, #tpu.memory_space<vmem>>, vector<16xi32>,
      %get3A_86 = arith.constant 32 : index
      %get3A_87 = tpu.vector_load %arg8[%get3A_86] {strides = array<i32>} : memref<128xi32, #tpu.memory_space<vmem>>, vector<16xi32>,
      %get3A_88 = vector.shape_cast %get3A_87 : vector<16xi32> to vector<16xi32>
      %mul3A_89 = arith.constant 10000 : i32
      %mul3A_90 = vector.broadcast %mul3A_89 : i32 to vector<16xi32>
      %mul3A_91 = arith.muli %get3A_88, %mul3A_90 : vector<16xi32>
      %get3A_92 = arith.constant 32 : index
      %get3A_93 = tpu.vector_load %arg12[%get3A_92] {strides = array<i32>} : memref<128xi32, #tpu.memory_space<vmem>>, vector<16xi32>,
      %get3A_94 = vector.shape_cast %get3A_93 : vector<16xi32> to vector<16xi32>
      %add3A_95 = arith.addi %mul3A_91, %get3A_94 : vector<16xi32>
      %swap3A_96 = arith.constant 32 : index
      %swap3A_97 = tpu.vector_load %arg12[%swap3A_96] {strides = array<i32>} : memref<128xi32, #tpu.memory_space<vmem>>, vector<16xi32>,
      %swap3A_98 = vector.shape_cast %swap3A_97 : vector<16xi32> to vector<16xi32>
      %swap3A_99 = vector.shape_cast %add3A_95 : vector<16xi32> to vector<16xi32>
      tpu.vector_store %arg12[%swap3A_96], %swap3A_99 {strides = array<i32>} : memref<128xi32, #tpu.memory_space<vmem>>, vector<16xi32>,
      %get3A_100 = arith.constant 48 : index
      %get3A_101 = tpu.vector_load %arg8[%get3A_100] {strides = array<i32>} : memref<128xi32, #tpu.memory_space<vmem>>, vector<16xi32>,
      %get3A_102 = vector.shape_cast %get3A_101 : vector<16xi32> to vector<16xi32>
      %mul3A_103 = arith.constant 10000 : i32
      %mul3A_104 = vector.broadcast %mul3A_103 : i32 to vector<16xi32>
      %mul3A_105 = arith.muli %get3A_102, %mul3A_104 : vector<16xi32>
      %get3A_106 = arith.constant 48 : index
      %get3A_107 = tpu.vector_load %arg12[%get3A_106] {strides = array<i32>} : memref<128xi32, #tpu.memory_space<vmem>>, vector<16xi32>,
      %get3A_108 = vector.shape_cast %get3A_107 : vector<16xi32> to vector<16xi32>
      %add3A_109 = arith.addi %mul3A_105, %get3A_108 : vector<16xi32>
      %swap3A_110 = arith.constant 48 : index
      %swap3A_111 = tpu.vector_load %arg12[%swap3A_110] {strides = array<i32>} : memref<128xi32, #tpu.memory_space<vmem>>, vector<16xi32>,
      %swap3A_112 = vector.shape_cast %swap3A_111 : vector<16xi32> to vector<16xi32>
      %swap3A_113 = vector.shape_cast %add3A_109 : vector<16xi32> to vector<16xi32>
      tpu.vector_store %arg12[%swap3A_110], %swap3A_113 {strides = array<i32>} : memref<128xi32, #tpu.memory_space<vmem>>, vector<16xi32>,
      %get3A_114 = arith.constant 64 : index
      %get3A_115 = tpu.vector_load %arg8[%get3A_114] {strides = array<i32>} : memref<128xi32, #tpu.memory_space<vmem>>, vector<16xi32>,
      %get3A_116 = vector.shape_cast %get3A_115 : vector<16xi32> to vector<16xi32>
      %mul3A_117 = arith.constant 10000 : i32
      %mul3A_118 = vector.broadcast %mul3A_117 : i32 to vector<16xi32>
      %mul3A_119 = arith.muli %get3A_116, %mul3A_118 : vector<16xi32>
      %get3A_120 = arith.constant 64 : index
      %get3A_121 = tpu.vector_load %arg12[%get3A_120] {strides = array<i32>} : memref<128xi32, #tpu.memory_space<vmem>>, vector<16xi32>,
      %get3A_122 = vector.shape_cast %get3A_121 : vector<16xi32> to vector<16xi32>
      %add3A_123 = arith.addi %mul3A_119, %get3A_122 : vector<16xi32>
      %swap3A_124 = arith.constant 64 : index
      %swap3A_125 = tpu.vector_load %arg12[%swap3A_124] {strides = array<i32>} : memref<128xi32, #tpu.memory_space<vmem>>, vector<16xi32>,
      %swap3A_126 = vector.shape_cast %swap3A_125 : vector<16xi32> to vector<16xi32>
      %swap3A_127 = vector.shape_cast %add3A_123 : vector<16xi32> to vector<16xi32>
      tpu.vector_store %arg12[%swap3A_124], %swap3A_127 {strides = array<i32>} : memref<128xi32, #tpu.memory_space<vmem>>, vector<16xi32>,
      %get3A_128 = arith.constant 80 : index
      %get3A_129 = tpu.vector_load %arg8[%get3A_128] {strides = array<i32>} : memref<128xi32, #tpu.memory_space<vmem>>, vector<16xi32>,
      %get3A_130 = vector.shape_cast %get3A_129 : vector<16xi32> to vector<16xi32>
      %mul3A_131 = arith.constant 10000 : i32
      %mul3A_132 = vector.broadcast %mul3A_131 : i32 to vector<16xi32>
      %mul3A_133 = arith.muli %get3A_130, %mul3A_132 : vector<16xi32>
      %get3A_134 = arith.constant 80 : index
      %get3A_135 = tpu.vector_load %arg12[%get3A_134] {strides = array<i32>} : memref<128xi32, #tpu.memory_space<vmem>>, vector<16xi32>,
      %get3A_136 = vector.shape_cast %get3A_135 : vector<16xi32> to vector<16xi32>
      %add3A_137 = arith.addi %mul3A_133, %get3A_136 : vector<16xi32>
      %swap3A_138 = arith.constant 80 : index
      %swap3A_139 = tpu.vector_load %arg12[%swap3A_138] {strides = array<i32>} : memref<128xi32, #tpu.memory_space<vmem>>, vector<16xi32>,
      %swap3A_140 = vector.shape_cast %swap3A_139 : vector<16xi32> to vector<16xi32>
      %swap3A_141 = vector.shape_cast %add3A_137 : vector<16xi32> to vector<16xi32>
      tpu.vector_store %arg12[%swap3A_138], %swap3A_141 {strides = array<i32>} : memref<128xi32, #tpu.memory_space<vmem>>, vector<16xi32>,
      %get3A_142 = arith.constant 96 : index
      %get3A_143 = tpu.vector_load %arg8[%get3A_142] {strides = array<i32>} : memref<128xi32, #tpu.memory_space<vmem>>, vector<16xi32>,
      %get3A_144 = vector.shape_cast %get3A_143 : vector<16xi32> to vector<16xi32>
      %mul3A_145 = arith.constant 10000 : i32
      %mul3A_146 = vector.broadcast %mul3A_145 : i32 to vector<16xi32>
      %mul3A_147 = arith.muli %get3A_144, %mul3A_146 : vector<16xi32>
      %get3A_148 = arith.constant 96 : index
      %get3A_149 = tpu.vector_load %arg12[%get3A_148] {strides = array<i32>} : memref<128xi32, #tpu.memory_space<vmem>>, vector<16xi32>,
      %get3A_150 = vector.shape_cast %get3A_149 : vector<16xi32> to vector<16xi32>
      %add3A_151 = arith.addi %mul3A_147, %get3A_150 : vector<16xi32>
      %swap3A_152 = arith.constant 96 : index
      %swap3A_153 = tpu.vector_load %arg12[%swap3A_152] {strides = array<i32>} : memref<128xi32, #tpu.memory_space<vmem>>, vector<16xi32>,
      %swap3A_154 = vector.shape_cast %swap3A_153 : vector<16xi32> to vector<16xi32>
      %swap3A_155 = vector.shape_cast %add3A_151 : vector<16xi32> to vector<16xi32>
      tpu.vector_store %arg12[%swap3A_152], %swap3A_155 {strides = array<i32>} : memref<128xi32, #tpu.memory_space<vmem>>, vector<16xi32>,
      %get3A_156 = arith.constant 112 : index
      %get3A_157 = tpu.vector_load %arg8[%get3A_156] {strides = array<i32>} : memref<128xi32, #tpu.memory_space<vmem>>, vector<16xi32>,
      %get3A_158 = vector.shape_cast %get3A_157 : vector<16xi32> to vector<16xi32>
      %mul3A_159 = arith.constant 10000 : i32
      %mul3A_160 = vector.broadcast %mul3A_159 : i32 to vector<16xi32>
      %mul3A_161 = arith.muli %get3A_158, %mul3A_160 : vector<16xi32>
      %get3A_162 = arith.constant 112 : index
      %get3A_163 = tpu.vector_load %arg12[%get3A_162] {strides = array<i32>} : memref<128xi32, #tpu.memory_space<vmem>>, vector<16xi32>,
      %get3A_164 = vector.shape_cast %get3A_163 : vector<16xi32> to vector<16xi32>
      %add3A_165 = arith.addi %mul3A_161, %get3A_164 : vector<16xi32>
      %swap3A_166 = arith.constant 112 : index
      %swap3A_167 = tpu.vector_load %arg12[%swap3A_166] {strides = array<i32>} : memref<128xi32, #tpu.memory_space<vmem>>, vector<16xi32>,
      %swap3A_168 = vector.shape_cast %swap3A_167 : vector<16xi32> to vector<16xi32>
      %swap3A_169 = vector.shape_cast %add3A_165 : vector<16xi32> to vector<16xi32>
      tpu.vector_store %arg12[%swap3A_166], %swap3A_169 {strides = array<i32>} : memref<128xi32, #tpu.memory_space<vmem>>, vector<16xi32>,
      %dma_wait3A_170 = arith.constant 0 : i32
      %dma_wait3A_171 = arith.constant 0 : i32
      %dma_wait3A_172 = tpu.memref_slice %arg16[%dma_wait3A_170, %dma_wait3A_171] : memref<10240x128xf32, #tpu.memory_space<vmem_shared>> -> memref<128x128xf32, #tpu.memory_space<vmem_shared>>
      %dma_wait3A_173 = arith.constant 0 : i32
      %dma_wait3A_174 = arith.constant 0 : i32
      %dma_wait3A_175 = tpu.memref_slice %arg16[%dma_wait3A_173, %dma_wait3A_174] : memref<10240x128xf32, #tpu.memory_space<vmem_shared>> -> memref<128x128xf32, #tpu.memory_space<vmem_shared>>
      tpu.wait_dma2 semaphore(%arg19 : memref<!tpu.dma_semaphore, #tpu.memory_space<semaphore_mem>>) src(%arg14 : memref<128x128xf32, #tpu.memory_space<vmem>>) dst(%dma_wait3A_175 : memref<128x128xf32, #tpu.memory_space<vmem_shared>>)
      %dma_start3A = arith.constant 0 : i32
      %dma_start3A_176 = arith.constant 0 : i32
      %dma_start3A_177 = tpu.memref_slice %arg2[%dma_start3A, %dma_start3A_176] : memref<160000x128xf32, #tpu.memory_space<hbm>> -> memref<160000x128xf32, #tpu.memory_space<hbm>>
      tpu.enqueue_indirect_dma source(%dma_start3A_177 : memref<160000x128xf32, #tpu.memory_space<hbm>>) target(%arg14 : memref<128x128xf32, #tpu.memory_space<vmem>>) offsets(%arg12 : memref<128xi32, #tpu.memory_space<vmem>>) semaphore(%arg17 : memref<!tpu.dma_semaphore, #tpu.memory_space<semaphore_mem>>)
    } else {
    }
    %add3A_28 = arith.constant 32 : i32
    %add3A_29 = arith.addi %add3A_28, %add3A : i32
    %lt3A_30 = arith.constant 2500 : i32
    %lt3A_31 = arith.cmpi slt, %add3A_29, %lt3A_30 : i32
    %convert_element_type3A_32 = arith.extui %lt3A_31 : i1 to i32
    %cond3A_33 = arith.constant 0 : i32
    %cond3A_34 = arith.cmpi ne, %convert_element_type3A_32, %cond3A_33 : i32
    scf.if %cond3A_34 {
      %dma_wait3A_58 = arith.constant 0 : i32
      %dma_wait3A_59 = arith.constant 0 : i32
      %dma_wait3A_60 = tpu.memref_slice %arg2[%dma_wait3A_58, %dma_wait3A_59] : memref<160000x128xf32, #tpu.memory_space<hbm>> -> memref<128x128xf32, #tpu.memory_space<hbm>>
      %dma_wait3A_61 = arith.constant 0 : i32
      %dma_wait3A_62 = arith.constant 0 : i32
      %dma_wait3A_63 = tpu.memref_slice %arg2[%dma_wait3A_61, %dma_wait3A_62] : memref<160000x128xf32, #tpu.memory_space<hbm>> -> memref<128x128xf32, #tpu.memory_space<hbm>>
      tpu.wait_dma2 semaphore(%arg18 : memref<!tpu.dma_semaphore, #tpu.memory_space<semaphore_mem>>) src(%dma_wait3A_63 : memref<128x128xf32, #tpu.memory_space<hbm>>) dst(%arg15 : memref<128x128xf32, #tpu.memory_space<vmem>>)
      %dma_start3A = arith.constant 0 : i32
      %dma_start3A_64 = arith.constant 0 : i32
      %dma_start3A_65 = tpu.memref_slice %arg16[%dma_start3A, %dma_start3A_64] : memref<10240x128xf32, #tpu.memory_space<vmem_shared>> -> memref<10240x128xf32, #tpu.memory_space<vmem_shared>>
      tpu.enqueue_indirect_dma source(%arg15 : memref<128x128xf32, #tpu.memory_space<vmem>>) target(%dma_start3A_65 : memref<10240x128xf32, #tpu.memory_space<vmem_shared>>) offsets(%arg11 : memref<128xi32, #tpu.memory_space<vmem>>) semaphore(%arg20 : memref<!tpu.dma_semaphore, #tpu.memory_space<semaphore_mem>>) {add = true}
    } else {
    }
    %scan3A = arith.constant 0 : i32
    %scan3A_35 = arith.constant 38 : i32
    %scan3A_36 = arith.addi %scan3A, %scan3A_35 : i32
    %scan3A_37 = arith.constant 1 : i32
    scf.for %scan3A_58 = %scan3A to %scan3A_36 step %scan3A_37  : i32 {
      %mul3A_59 = arith.constant 2 : i32
      %mul3A_60 = arith.muli %scan3A_58, %mul3A_59 : i32
      %add3A_61 = arith.constant 2 : i32
      %add3A_62 = arith.addi %add3A_61, %mul3A_60 : i32
      %add3A_63 = arith.constant 1 : i32
      %add3A_64 = arith.addi %add3A_62, %add3A_63 : i32
      %mul3A_65 = arith.constant 32 : i32
      %mul3A_66 = arith.muli %add3A_64, %mul3A_65 : i32
      %add3A_67 = arith.addi %mul3A_66, %add3A : i32
      %lt3A_68 = arith.constant 2500 : i32
      %lt3A_69 = arith.cmpi slt, %add3A_67, %lt3A_68 : i32
      %convert_element_type3A_70 = arith.extui %lt3A_69 : i1 to i32
      %cond3A_71 = arith.constant 0 : i32
      %cond3A_72 = arith.cmpi ne, %convert_element_type3A_70, %cond3A_71 : i32
      scf.if %cond3A_72 {
        %mul3A_101 = arith.constant 128 : i32
        %mul3A_102 = arith.muli %add3A_67, %mul3A_101 : i32
        %multiple_of3A = tpu.assume_multiple %mul3A_102, 128 : i32
        "tpu.region"() ({
          %run_scoped3A = tpu.sem_alloc : memref<!tpu.dma_semaphore, #tpu.memory_space<semaphore_mem>>
          %dma_start3A_221 = tpu.memref_slice %arg3[%multiple_of3A] : memref<320000xi32, #tpu.memory_space<hbm>> -> memref<128xi32, #tpu.memory_space<hbm>>
          %dma_start3A_222 = tpu.memref_slice %arg3[%multiple_of3A] : memref<320000xi32, #tpu.memory_space<hbm>> -> memref<128xi32, #tpu.memory_space<hbm>>
          tpu.enqueue_dma source(%dma_start3A_222 : memref<128xi32, #tpu.memory_space<hbm>>) target(%arg13 : memref<128xi32, #tpu.memory_space<vmem>>) target_semaphore(%run_scoped3A : memref<!tpu.dma_semaphore, #tpu.memory_space<semaphore_mem>>)
          %dma_wait3A_223 = tpu.memref_slice %arg3[%multiple_of3A] : memref<320000xi32, #tpu.memory_space<hbm>> -> memref<128xi32, #tpu.memory_space<hbm>>
          %dma_wait3A_224 = tpu.memref_slice %arg3[%multiple_of3A] : memref<320000xi32, #tpu.memory_space<hbm>> -> memref<128xi32, #tpu.memory_space<hbm>>
          tpu.wait_dma2 semaphore(%run_scoped3A : memref<!tpu.dma_semaphore, #tpu.memory_space<semaphore_mem>>) src(%dma_wait3A_224 : memref<128xi32, #tpu.memory_space<hbm>>) dst(%arg13 : memref<128xi32, #tpu.memory_space<vmem>>)
          tpu.yield
        }) : () -> ()
        "tpu.region"() ({
          %run_scoped3A = tpu.sem_alloc : memref<!tpu.dma_semaphore, #tpu.memory_space<semaphore_mem>>
          %dma_start3A_221 = tpu.memref_slice %arg4[%multiple_of3A] : memref<320000xi32, #tpu.memory_space<hbm>> -> memref<128xi32, #tpu.memory_space<hbm>>
          %dma_start3A_222 = tpu.memref_slice %arg4[%multiple_of3A] : memref<320000xi32, #tpu.memory_space<hbm>> -> memref<128xi32, #tpu.memory_space<hbm>>
          tpu.enqueue_dma source(%dma_start3A_222 : memref<128xi32, #tpu.memory_space<hbm>>) target(%arg9 : memref<128xi32, #tpu.memory_space<vmem>>) target_semaphore(%run_scoped3A : memref<!tpu.dma_semaphore, #tpu.memory_space<semaphore_mem>>)
          %dma_wait3A_223 = tpu.memref_slice %arg4[%multiple_of3A] : memref<320000xi32, #tpu.memory_space<hbm>> -> memref<128xi32, #tpu.memory_space<hbm>>
          %dma_wait3A_224 = tpu.memref_slice %arg4[%multiple_of3A] : memref<320000xi32, #tpu.memory_space<hbm>> -> memref<128xi32, #tpu.memory_space<hbm>>
          tpu.wait_dma2 semaphore(%run_scoped3A : memref<!tpu.dma_semaphore, #tpu.memory_space<semaphore_mem>>) src(%dma_wait3A_224 : memref<128xi32, #tpu.memory_space<hbm>>) dst(%arg9 : memref<128xi32, #tpu.memory_space<vmem>>)
          tpu.yield
        }) : () -> ()
        "tpu.region"() ({
          %run_scoped3A = tpu.sem_alloc : memref<!tpu.dma_semaphore, #tpu.memory_space<semaphore_mem>>
          %dma_start3A_221 = tpu.memref_slice %arg5[%multiple_of3A] : memref<320000xi32, #tpu.memory_space<hbm>> -> memref<128xi32, #tpu.memory_space<hbm>>
          %dma_start3A_222 = tpu.memref_slice %arg5[%multiple_of3A] : memref<320000xi32, #tpu.memory_space<hbm>> -> memref<128xi32, #tpu.memory_space<hbm>>
          tpu.enqueue_dma source(%dma_start3A_222 : memref<128xi32, #tpu.memory_space<hbm>>) target(%arg11 : memref<128xi32, #tpu.memory_space<vmem>>) target_semaphore(%run_scoped3A : memref<!tpu.dma_semaphore, #tpu.memory_space<semaphore_mem>>)
          %dma_wait3A_223 = tpu.memref_slice %arg5[%multiple_of3A] : memref<320000xi32, #tpu.memory_space<hbm>> -> memref<128xi32, #tpu.memory_space<hbm>>
          %dma_wait3A_224 = tpu.memref_slice %arg5[%multiple_of3A] : memref<320000xi32, #tpu.memory_space<hbm>> -> memref<128xi32, #tpu.memory_space<hbm>>
          tpu.wait_dma2 semaphore(%run_scoped3A : memref<!tpu.dma_semaphore, #tpu.memory_space<semaphore_mem>>) src(%dma_wait3A_224 : memref<128xi32, #tpu.memory_space<hbm>>) dst(%arg11 : memref<128xi32, #tpu.memory_space<vmem>>)
          tpu.yield
        }) : () -> ()
        %get3A = arith.constant 0 : index
        %get3A_103 = tpu.vector_load %arg9[%get3A] {strides = array<i32>} : memref<128xi32, #tpu.memory_space<vmem>>, vector<16xi32>,
        %get3A_104 = vector.shape_cast %get3A_103 : vector<16xi32> to vector<16xi32>
        %mul3A_105 = arith.constant 10000 : i32
        %mul3A_106 = vector.broadcast %mul3A_105 : i32 to vector<16xi32>
        %mul3A_107 = arith.muli %get3A_104, %mul3A_106 : vector<16xi32>
        %get3A_108 = arith.constant 0 : index
        %get3A_109 = tpu.vector_load %arg13[%get3A_108] {strides = array<i32>} : memref<128xi32, #tpu.memory_space<vmem>>, vector<16xi32>,
        %get3A_110 = vector.shape_cast %get3A_109 : vector<16xi32> to vector<16xi32>
        %add3A_111 = arith.addi %mul3A_107, %get3A_110 : vector<16xi32>
        %swap3A = arith.constant 0 : index
        %swap3A_112 = tpu.vector_load %arg13[%swap3A] {strides = array<i32>} : memref<128xi32, #tpu.memory_space<vmem>>, vector<16xi32>,
        %swap3A_113 = vector.shape_cast %swap3A_112 : vector<16xi32> to vector<16xi32>
        %swap3A_114 = vector.shape_cast %add3A_111 : vector<16xi32> to vector<16xi32>
        tpu.vector_store %arg13[%swap3A], %swap3A_114 {strides = array<i32>} : memref<128xi32, #tpu.memory_space<vmem>>, vector<16xi32>,
        %get3A_115 = arith.constant 16 : index
        %get3A_116 = tpu.vector_load %arg9[%get3A_115] {strides = array<i32>} : memref<128xi32, #tpu.memory_space<vmem>>, vector<16xi32>,
        %get3A_117 = vector.shape_cast %get3A_116 : vector<16xi32> to vector<16xi32>
        %mul3A_118 = arith.constant 10000 : i32
        %mul3A_119 = vector.broadcast %mul3A_118 : i32 to vector<16xi32>
        %mul3A_120 = arith.muli %get3A_117, %mul3A_119 : vector<16xi32>
        %get3A_121 = arith.constant 16 : index
        %get3A_122 = tpu.vector_load %arg13[%get3A_121] {strides = array<i32>} : memref<128xi32, #tpu.memory_space<vmem>>, vector<16xi32>,
        %get3A_123 = vector.shape_cast %get3A_122 : vector<16xi32> to vector<16xi32>
        %add3A_124 = arith.addi %mul3A_120, %get3A_123 : vector<16xi32>
        %swap3A_125 = arith.constant 16 : index
        %swap3A_126 = tpu.vector_load %arg13[%swap3A_125] {strides = array<i32>} : memref<128xi32, #tpu.memory_space<vmem>>, vector<16xi32>,
        %swap3A_127 = vector.shape_cast %swap3A_126 : vector<16xi32> to vector<16xi32>
        %swap3A_128 = vector.shape_cast %add3A_124 : vector<16xi32> to vector<16xi32>
        tpu.vector_store %arg13[%swap3A_125], %swap3A_128 {strides = array<i32>} : memref<128xi32, #tpu.memory_space<vmem>>, vector<16xi32>,
        %get3A_129 = arith.constant 32 : index
        %get3A_130 = tpu.vector_load %arg9[%get3A_129] {strides = array<i32>} : memref<128xi32, #tpu.memory_space<vmem>>, vector<16xi32>,
        %get3A_131 = vector.shape_cast %get3A_130 : vector<16xi32> to vector<16xi32>
        %mul3A_132 = arith.constant 10000 : i32
        %mul3A_133 = vector.broadcast %mul3A_132 : i32 to vector<16xi32>
        %mul3A_134 = arith.muli %get3A_131, %mul3A_133 : vector<16xi32>
        %get3A_135 = arith.constant 32 : index
        %get3A_136 = tpu.vector_load %arg13[%get3A_135] {strides = array<i32>} : memref<128xi32, #tpu.memory_space<vmem>>, vector<16xi32>,
        %get3A_137 = vector.shape_cast %get3A_136 : vector<16xi32> to vector<16xi32>
        %add3A_138 = arith.addi %mul3A_134, %get3A_137 : vector<16xi32>
        %swap3A_139 = arith.constant 32 : index
        %swap3A_140 = tpu.vector_load %arg13[%swap3A_139] {strides = array<i32>} : memref<128xi32, #tpu.memory_space<vmem>>, vector<16xi32>,
        %swap3A_141 = vector.shape_cast %swap3A_140 : vector<16xi32> to vector<16xi32>
        %swap3A_142 = vector.shape_cast %add3A_138 : vector<16xi32> to vector<16xi32>
        tpu.vector_store %arg13[%swap3A_139], %swap3A_142 {strides = array<i32>} : memref<128xi32, #tpu.memory_space<vmem>>, vector<16xi32>,
        %get3A_143 = arith.constant 48 : index
        %get3A_144 = tpu.vector_load %arg9[%get3A_143] {strides = array<i32>} : memref<128xi32, #tpu.memory_space<vmem>>, vector<16xi32>,
        %get3A_145 = vector.shape_cast %get3A_144 : vector<16xi32> to vector<16xi32>
        %mul3A_146 = arith.constant 10000 : i32
        %mul3A_147 = vector.broadcast %mul3A_146 : i32 to vector<16xi32>
        %mul3A_148 = arith.muli %get3A_145, %mul3A_147 : vector<16xi32>
        %get3A_149 = arith.constant 48 : index
        %get3A_150 = tpu.vector_load %arg13[%get3A_149] {strides = array<i32>} : memref<128xi32, #tpu.memory_space<vmem>>, vector<16xi32>,
        %get3A_151 = vector.shape_cast %get3A_150 : vector<16xi32> to vector<16xi32>
        %add3A_152 = arith.addi %mul3A_148, %get3A_151 : vector<16xi32>
        %swap3A_153 = arith.constant 48 : index
        %swap3A_154 = tpu.vector_load %arg13[%swap3A_153] {strides = array<i32>} : memref<128xi32, #tpu.memory_space<vmem>>, vector<16xi32>,
        %swap3A_155 = vector.shape_cast %swap3A_154 : vector<16xi32> to vector<16xi32>
        %swap3A_156 = vector.shape_cast %add3A_152 : vector<16xi32> to vector<16xi32>
        tpu.vector_store %arg13[%swap3A_153], %swap3A_156 {strides = array<i32>} : memref<128xi32, #tpu.memory_space<vmem>>, vector<16xi32>,
        %get3A_157 = arith.constant 64 : index
        %get3A_158 = tpu.vector_load %arg9[%get3A_157] {strides = array<i32>} : memref<128xi32, #tpu.memory_space<vmem>>, vector<16xi32>,
        %get3A_159 = vector.shape_cast %get3A_158 : vector<16xi32> to vector<16xi32>
        %mul3A_160 = arith.constant 10000 : i32
        %mul3A_161 = vector.broadcast %mul3A_160 : i32 to vector<16xi32>
        %mul3A_162 = arith.muli %get3A_159, %mul3A_161 : vector<16xi32>
        %get3A_163 = arith.constant 64 : index
        %get3A_164 = tpu.vector_load %arg13[%get3A_163] {strides = array<i32>} : memref<128xi32, #tpu.memory_space<vmem>>, vector<16xi32>,
        %get3A_165 = vector.shape_cast %get3A_164 : vector<16xi32> to vector<16xi32>
        %add3A_166 = arith.addi %mul3A_162, %get3A_165 : vector<16xi32>
        %swap3A_167 = arith.constant 64 : index
        %swap3A_168 = tpu.vector_load %arg13[%swap3A_167] {strides = array<i32>} : memref<128xi32, #tpu.memory_space<vmem>>, vector<16xi32>,
        %swap3A_169 = vector.shape_cast %swap3A_168 : vector<16xi32> to vector<16xi32>
        %swap3A_170 = vector.shape_cast %add3A_166 : vector<16xi32> to vector<16xi32>
        tpu.vector_store %arg13[%swap3A_167], %swap3A_170 {strides = array<i32>} : memref<128xi32, #tpu.memory_space<vmem>>, vector<16xi32>,
        %get3A_171 = arith.constant 80 : index
        %get3A_172 = tpu.vector_load %arg9[%get3A_171] {strides = array<i32>} : memref<128xi32, #tpu.memory_space<vmem>>, vector<16xi32>,
        %get3A_173 = vector.shape_cast %get3A_172 : vector<16xi32> to vector<16xi32>
        %mul3A_174 = arith.constant 10000 : i32
        %mul3A_175 = vector.broadcast %mul3A_174 : i32 to vector<16xi32>
        %mul3A_176 = arith.muli %get3A_173, %mul3A_175 : vector<16xi32>
        %get3A_177 = arith.constant 80 : index
        %get3A_178 = tpu.vector_load %arg13[%get3A_177] {strides = array<i32>} : memref<128xi32, #tpu.memory_space<vmem>>, vector<16xi32>,
        %get3A_179 = vector.shape_cast %get3A_178 : vector<16xi32> to vector<16xi32>
        %add3A_180 = arith.addi %mul3A_176, %get3A_179 : vector<16xi32>
        %swap3A_181 = arith.constant 80 : index
        %swap3A_182 = tpu.vector_load %arg13[%swap3A_181] {strides = array<i32>} : memref<128xi32, #tpu.memory_space<vmem>>, vector<16xi32>,
        %swap3A_183 = vector.shape_cast %swap3A_182 : vector<16xi32> to vector<16xi32>
        %swap3A_184 = vector.shape_cast %add3A_180 : vector<16xi32> to vector<16xi32>
        tpu.vector_store %arg13[%swap3A_181], %swap3A_184 {strides = array<i32>} : memref<128xi32, #tpu.memory_space<vmem>>, vector<16xi32>,
        %get3A_185 = arith.constant 96 : index
        %get3A_186 = tpu.vector_load %arg9[%get3A_185] {strides = array<i32>} : memref<128xi32, #tpu.memory_space<vmem>>, vector<16xi32>,
        %get3A_187 = vector.shape_cast %get3A_186 : vector<16xi32> to vector<16xi32>
        %mul3A_188 = arith.constant 10000 : i32
        %mul3A_189 = vector.broadcast %mul3A_188 : i32 to vector<16xi32>
        %mul3A_190 = arith.muli %get3A_187, %mul3A_189 : vector<16xi32>
        %get3A_191 = arith.constant 96 : index
        %get3A_192 = tpu.vector_load %arg13[%get3A_191] {strides = array<i32>} : memref<128xi32, #tpu.memory_space<vmem>>, vector<16xi32>,
        %get3A_193 = vector.shape_cast %get3A_192 : vector<16xi32> to vector<16xi32>
        %add3A_194 = arith.addi %mul3A_190, %get3A_193 : vector<16xi32>
        %swap3A_195 = arith.constant 96 : index
        %swap3A_196 = tpu.vector_load %arg13[%swap3A_195] {strides = array<i32>} : memref<128xi32, #tpu.memory_space<vmem>>, vector<16xi32>,
        %swap3A_197 = vector.shape_cast %swap3A_196 : vector<16xi32> to vector<16xi32>
        %swap3A_198 = vector.shape_cast %add3A_194 : vector<16xi32> to vector<16xi32>
        tpu.vector_store %arg13[%swap3A_195], %swap3A_198 {strides = array<i32>} : memref<128xi32, #tpu.memory_space<vmem>>, vector<16xi32>,
        %get3A_199 = arith.constant 112 : index
        %get3A_200 = tpu.vector_load %arg9[%get3A_199] {strides = array<i32>} : memref<128xi32, #tpu.memory_space<vmem>>, vector<16xi32>,
        %get3A_201 = vector.shape_cast %get3A_200 : vector<16xi32> to vector<16xi32>
        %mul3A_202 = arith.constant 10000 : i32
        %mul3A_203 = vector.broadcast %mul3A_202 : i32 to vector<16xi32>
        %mul3A_204 = arith.muli %get3A_201, %mul3A_203 : vector<16xi32>
        %get3A_205 = arith.constant 112 : index
        %get3A_206 = tpu.vector_load %arg13[%get3A_205] {strides = array<i32>} : memref<128xi32, #tpu.memory_space<vmem>>, vector<16xi32>,
        %get3A_207 = vector.shape_cast %get3A_206 : vector<16xi32> to vector<16xi32>
        %add3A_208 = arith.addi %mul3A_204, %get3A_207 : vector<16xi32>
        %swap3A_209 = arith.constant 112 : index
        %swap3A_210 = tpu.vector_load %arg13[%swap3A_209] {strides = array<i32>} : memref<128xi32, #tpu.memory_space<vmem>>, vector<16xi32>,
        %swap3A_211 = vector.shape_cast %swap3A_210 : vector<16xi32> to vector<16xi32>
        %swap3A_212 = vector.shape_cast %add3A_208 : vector<16xi32> to vector<16xi32>
        tpu.vector_store %arg13[%swap3A_209], %swap3A_212 {strides = array<i32>} : memref<128xi32, #tpu.memory_space<vmem>>, vector<16xi32>,
        %dma_wait3A_213 = arith.constant 0 : i32
        %dma_wait3A_214 = arith.constant 0 : i32
        %dma_wait3A_215 = tpu.memref_slice %arg16[%dma_wait3A_213, %dma_wait3A_214] : memref<10240x128xf32, #tpu.memory_space<vmem_shared>> -> memref<128x128xf32, #tpu.memory_space<vmem_shared>>
        %dma_wait3A_216 = arith.constant 0 : i32
        %dma_wait3A_217 = arith.constant 0 : i32
        %dma_wait3A_218 = tpu.memref_slice %arg16[%dma_wait3A_216, %dma_wait3A_217] : memref<10240x128xf32, #tpu.memory_space<vmem_shared>> -> memref<128x128xf32, #tpu.memory_space<vmem_shared>>
        tpu.wait_dma2 semaphore(%arg20 : memref<!tpu.dma_semaphore, #tpu.memory_space<semaphore_mem>>) src(%arg15 : memref<128x128xf32, #tpu.memory_space<vmem>>) dst(%dma_wait3A_218 : memref<128x128xf32, #tpu.memory_space<vmem_shared>>)
        %dma_start3A = arith.constant 0 : i32
        %dma_start3A_219 = arith.constant 0 : i32
        %dma_start3A_220 = tpu.memref_slice %arg2[%dma_start3A, %dma_start3A_219] : memref<160000x128xf32, #tpu.memory_space<hbm>> -> memref<160000x128xf32, #tpu.memory_space<hbm>>
        tpu.enqueue_indirect_dma source(%dma_start3A_220 : memref<160000x128xf32, #tpu.memory_space<hbm>>) target(%arg15 : memref<128x128xf32, #tpu.memory_space<vmem>>) offsets(%arg13 : memref<128xi32, #tpu.memory_space<vmem>>) semaphore(%arg18 : memref<!tpu.dma_semaphore, #tpu.memory_space<semaphore_mem>>)
      } else {
      }
      %mul3A_73 = arith.constant 32 : i32
      %mul3A_74 = arith.muli %add3A_62, %mul3A_73 : i32
      %add3A_75 = arith.addi %mul3A_74, %add3A : i32
      %lt3A_76 = arith.constant 2500 : i32
      %lt3A_77 = arith.cmpi slt, %add3A_75, %lt3A_76 : i32
      %convert_element_type3A_78 = arith.extui %lt3A_77 : i1 to i32
      %cond3A_79 = arith.constant 0 : i32
      %cond3A_80 = arith.cmpi ne, %convert_element_type3A_78, %cond3A_79 : i32
      scf.if %cond3A_80 {
        %dma_wait3A_101 = arith.constant 0 : i32
        %dma_wait3A_102 = arith.constant 0 : i32
        %dma_wait3A_103 = tpu.memref_slice %arg2[%dma_wait3A_101, %dma_wait3A_102] : memref<160000x128xf32, #tpu.memory_space<hbm>> -> memref<128x128xf32, #tpu.memory_space<hbm>>
        %dma_wait3A_104 = arith.constant 0 : i32
        %dma_wait3A_105 = arith.constant 0 : i32
        %dma_wait3A_106 = tpu.memref_slice %arg2[%dma_wait3A_104, %dma_wait3A_105] : memref<160000x128xf32, #tpu.memory_space<hbm>> -> memref<128x128xf32, #tpu.memory_space<hbm>>
        tpu.wait_dma2 semaphore(%arg17 : memref<!tpu.dma_semaphore, #tpu.memory_space<semaphore_mem>>) src(%dma_wait3A_106 : memref<128x128xf32, #tpu.memory_space<hbm>>) dst(%arg14 : memref<128x128xf32, #tpu.memory_space<vmem>>)
        %dma_start3A = arith.constant 0 : i32
        %dma_start3A_107 = arith.constant 0 : i32
        %dma_start3A_108 = tpu.memref_slice %arg16[%dma_start3A, %dma_start3A_107] : memref<10240x128xf32, #tpu.memory_space<vmem_shared>> -> memref<10240x128xf32, #tpu.memory_space<vmem_shared>>
        tpu.enqueue_indirect_dma source(%arg14 : memref<128x128xf32, #tpu.memory_space<vmem>>) target(%dma_start3A_108 : memref<10240x128xf32, #tpu.memory_space<vmem_shared>>) offsets(%arg10 : memref<128xi32, #tpu.memory_space<vmem>>) semaphore(%arg19 : memref<!tpu.dma_semaphore, #tpu.memory_space<semaphore_mem>>) {add = true}
      } else {
      }
      %add3A_81 = arith.constant 2 : i32
      %add3A_82 = arith.addi %add3A_62, %add3A_81 : i32
      %mul3A_83 = arith.constant 32 : i32
      %mul3A_84 = arith.muli %add3A_82, %mul3A_83 : i32
      %add3A_85 = arith.addi %mul3A_84, %add3A : i32
      %lt3A_86 = arith.constant 2500 : i32
      %lt3A_87 = arith.cmpi slt, %add3A_85, %lt3A_86 : i32
      %convert_element_type3A_88 = arith.extui %lt3A_87 : i1 to i32
      %cond3A_89 = arith.constant 0 : i32
      %cond3A_90 = arith.cmpi ne, %convert_element_type3A_88, %cond3A_89 : i32
      scf.if %cond3A_90 {
        %mul3A_101 = arith.constant 128 : i32
        %mul3A_102 = arith.muli %add3A_85, %mul3A_101 : i32
        %multiple_of3A = tpu.assume_multiple %mul3A_102, 128 : i32
        "tpu.region"() ({
          %run_scoped3A = tpu.sem_alloc : memref<!tpu.dma_semaphore, #tpu.memory_space<semaphore_mem>>
          %dma_start3A_221 = tpu.memref_slice %arg3[%multiple_of3A] : memref<320000xi32, #tpu.memory_space<hbm>> -> memref<128xi32, #tpu.memory_space<hbm>>
          %dma_start3A_222 = tpu.memref_slice %arg3[%multiple_of3A] : memref<320000xi32, #tpu.memory_space<hbm>> -> memref<128xi32, #tpu.memory_space<hbm>>
          tpu.enqueue_dma source(%dma_start3A_222 : memref<128xi32, #tpu.memory_space<hbm>>) target(%arg12 : memref<128xi32, #tpu.memory_space<vmem>>) target_semaphore(%run_scoped3A : memref<!tpu.dma_semaphore, #tpu.memory_space<semaphore_mem>>)
          %dma_wait3A_223 = tpu.memref_slice %arg3[%multiple_of3A] : memref<320000xi32, #tpu.memory_space<hbm>> -> memref<128xi32, #tpu.memory_space<hbm>>
          %dma_wait3A_224 = tpu.memref_slice %arg3[%multiple_of3A] : memref<320000xi32, #tpu.memory_space<hbm>> -> memref<128xi32, #tpu.memory_space<hbm>>
          tpu.wait_dma2 semaphore(%run_scoped3A : memref<!tpu.dma_semaphore, #tpu.memory_space<semaphore_mem>>) src(%dma_wait3A_224 : memref<128xi32, #tpu.memory_space<hbm>>) dst(%arg12 : memref<128xi32, #tpu.memory_space<vmem>>)
          tpu.yield
        }) : () -> ()
        "tpu.region"() ({
          %run_scoped3A = tpu.sem_alloc : memref<!tpu.dma_semaphore, #tpu.memory_space<semaphore_mem>>
          %dma_start3A_221 = tpu.memref_slice %arg4[%multiple_of3A] : memref<320000xi32, #tpu.memory_space<hbm>> -> memref<128xi32, #tpu.memory_space<hbm>>
          %dma_start3A_222 = tpu.memref_slice %arg4[%multiple_of3A] : memref<320000xi32, #tpu.memory_space<hbm>> -> memref<128xi32, #tpu.memory_space<hbm>>
          tpu.enqueue_dma source(%dma_start3A_222 : memref<128xi32, #tpu.memory_space<hbm>>) target(%arg8 : memref<128xi32, #tpu.memory_space<vmem>>) target_semaphore(%run_scoped3A : memref<!tpu.dma_semaphore, #tpu.memory_space<semaphore_mem>>)
          %dma_wait3A_223 = tpu.memref_slice %arg4[%multiple_of3A] : memref<320000xi32, #tpu.memory_space<hbm>> -> memref<128xi32, #tpu.memory_space<hbm>>
          %dma_wait3A_224 = tpu.memref_slice %arg4[%multiple_of3A] : memref<320000xi32, #tpu.memory_space<hbm>> -> memref<128xi32, #tpu.memory_space<hbm>>
          tpu.wait_dma2 semaphore(%run_scoped3A : memref<!tpu.dma_semaphore, #tpu.memory_space<semaphore_mem>>) src(%dma_wait3A_224 : memref<128xi32, #tpu.memory_space<hbm>>) dst(%arg8 : memref<128xi32, #tpu.memory_space<vmem>>)
          tpu.yield
        }) : () -> ()
        "tpu.region"() ({
          %run_scoped3A = tpu.sem_alloc : memref<!tpu.dma_semaphore, #tpu.memory_space<semaphore_mem>>
          %dma_start3A_221 = tpu.memref_slice %arg5[%multiple_of3A] : memref<320000xi32, #tpu.memory_space<hbm>> -> memref<128xi32, #tpu.memory_space<hbm>>
          %dma_start3A_222 = tpu.memref_slice %arg5[%multiple_of3A] : memref<320000xi32, #tpu.memory_space<hbm>> -> memref<128xi32, #tpu.memory_space<hbm>>
          tpu.enqueue_dma source(%dma_start3A_222 : memref<128xi32, #tpu.memory_space<hbm>>) target(%arg10 : memref<128xi32, #tpu.memory_space<vmem>>) target_semaphore(%run_scoped3A : memref<!tpu.dma_semaphore, #tpu.memory_space<semaphore_mem>>)
          %dma_wait3A_223 = tpu.memref_slice %arg5[%multiple_of3A] : memref<320000xi32, #tpu.memory_space<hbm>> -> memref<128xi32, #tpu.memory_space<hbm>>
          %dma_wait3A_224 = tpu.memref_slice %arg5[%multiple_of3A] : memref<320000xi32, #tpu.memory_space<hbm>> -> memref<128xi32, #tpu.memory_space<hbm>>
          tpu.wait_dma2 semaphore(%run_scoped3A : memref<!tpu.dma_semaphore, #tpu.memory_space<semaphore_mem>>) src(%dma_wait3A_224 : memref<128xi32, #tpu.memory_space<hbm>>) dst(%arg10 : memref<128xi32, #tpu.memory_space<vmem>>)
          tpu.yield
        }) : () -> ()
        %get3A = arith.constant 0 : index
        %get3A_103 = tpu.vector_load %arg8[%get3A] {strides = array<i32>} : memref<128xi32, #tpu.memory_space<vmem>>, vector<16xi32>,
        %get3A_104 = vector.shape_cast %get3A_103 : vector<16xi32> to vector<16xi32>
        %mul3A_105 = arith.constant 10000 : i32
        %mul3A_106 = vector.broadcast %mul3A_105 : i32 to vector<16xi32>
        %mul3A_107 = arith.muli %get3A_104, %mul3A_106 : vector<16xi32>
        %get3A_108 = arith.constant 0 : index
        %get3A_109 = tpu.vector_load %arg12[%get3A_108] {strides = array<i32>} : memref<128xi32, #tpu.memory_space<vmem>>, vector<16xi32>,
        %get3A_110 = vector.shape_cast %get3A_109 : vector<16xi32> to vector<16xi32>
        %add3A_111 = arith.addi %mul3A_107, %get3A_110 : vector<16xi32>
        %swap3A = arith.constant 0 : index
        %swap3A_112 = tpu.vector_load %arg12[%swap3A] {strides = array<i32>} : memref<128xi32, #tpu.memory_space<vmem>>, vector<16xi32>,
        %swap3A_113 = vector.shape_cast %swap3A_112 : vector<16xi32> to vector<16xi32>
        %swap3A_114 = vector.shape_cast %add3A_111 : vector<16xi32> to vector<16xi32>
        tpu.vector_store %arg12[%swap3A], %swap3A_114 {strides = array<i32>} : memref<128xi32, #tpu.memory_space<vmem>>, vector<16xi32>,
        %get3A_115 = arith.constant 16 : index
        %get3A_116 = tpu.vector_load %arg8[%get3A_115] {strides = array<i32>} : memref<128xi32, #tpu.memory_space<vmem>>, vector<16xi32>,
        %get3A_117 = vector.shape_cast %get3A_116 : vector<16xi32> to vector<16xi32>
        %mul3A_118 = arith.constant 10000 : i32
        %mul3A_119 = vector.broadcast %mul3A_118 : i32 to vector<16xi32>
        %mul3A_120 = arith.muli %get3A_117, %mul3A_119 : vector<16xi32>
        %get3A_121 = arith.constant 16 : index
        %get3A_122 = tpu.vector_load %arg12[%get3A_121] {strides = array<i32>} : memref<128xi32, #tpu.memory_space<vmem>>, vector<16xi32>,
        %get3A_123 = vector.shape_cast %get3A_122 : vector<16xi32> to vector<16xi32>
        %add3A_124 = arith.addi %mul3A_120, %get3A_123 : vector<16xi32>
        %swap3A_125 = arith.constant 16 : index
        %swap3A_126 = tpu.vector_load %arg12[%swap3A_125] {strides = array<i32>} : memref<128xi32, #tpu.memory_space<vmem>>, vector<16xi32>,
        %swap3A_127 = vector.shape_cast %swap3A_126 : vector<16xi32> to vector<16xi32>
        %swap3A_128 = vector.shape_cast %add3A_124 : vector<16xi32> to vector<16xi32>
        tpu.vector_store %arg12[%swap3A_125], %swap3A_128 {strides = array<i32>} : memref<128xi32, #tpu.memory_space<vmem>>, vector<16xi32>,
        %get3A_129 = arith.constant 32 : index
        %get3A_130 = tpu.vector_load %arg8[%get3A_129] {strides = array<i32>} : memref<128xi32, #tpu.memory_space<vmem>>, vector<16xi32>,
        %get3A_131 = vector.shape_cast %get3A_130 : vector<16xi32> to vector<16xi32>
        %mul3A_132 = arith.constant 10000 : i32
        %mul3A_133 = vector.broadcast %mul3A_132 : i32 to vector<16xi32>
        %mul3A_134 = arith.muli %get3A_131, %mul3A_133 : vector<16xi32>
        %get3A_135 = arith.constant 32 : index
        %get3A_136 = tpu.vector_load %arg12[%get3A_135] {strides = array<i32>} : memref<128xi32, #tpu.memory_space<vmem>>, vector<16xi32>,
        %get3A_137 = vector.shape_cast %get3A_136 : vector<16xi32> to vector<16xi32>
        %add3A_138 = arith.addi %mul3A_134, %get3A_137 : vector<16xi32>
        %swap3A_139 = arith.constant 32 : index
        %swap3A_140 = tpu.vector_load %arg12[%swap3A_139] {strides = array<i32>} : memref<128xi32, #tpu.memory_space<vmem>>, vector<16xi32>,
        %swap3A_141 = vector.shape_cast %swap3A_140 : vector<16xi32> to vector<16xi32>
        %swap3A_142 = vector.shape_cast %add3A_138 : vector<16xi32> to vector<16xi32>
        tpu.vector_store %arg12[%swap3A_139], %swap3A_142 {strides = array<i32>} : memref<128xi32, #tpu.memory_space<vmem>>, vector<16xi32>,
        %get3A_143 = arith.constant 48 : index
        %get3A_144 = tpu.vector_load %arg8[%get3A_143] {strides = array<i32>} : memref<128xi32, #tpu.memory_space<vmem>>, vector<16xi32>,
        %get3A_145 = vector.shape_cast %get3A_144 : vector<16xi32> to vector<16xi32>
        %mul3A_146 = arith.constant 10000 : i32
        %mul3A_147 = vector.broadcast %mul3A_146 : i32 to vector<16xi32>
        %mul3A_148 = arith.muli %get3A_145, %mul3A_147 : vector<16xi32>
        %get3A_149 = arith.constant 48 : index
        %get3A_150 = tpu.vector_load %arg12[%get3A_149] {strides = array<i32>} : memref<128xi32, #tpu.memory_space<vmem>>, vector<16xi32>,
        %get3A_151 = vector.shape_cast %get3A_150 : vector<16xi32> to vector<16xi32>
        %add3A_152 = arith.addi %mul3A_148, %get3A_151 : vector<16xi32>
        %swap3A_153 = arith.constant 48 : index
        %swap3A_154 = tpu.vector_load %arg12[%swap3A_153] {strides = array<i32>} : memref<128xi32, #tpu.memory_space<vmem>>, vector<16xi32>,
        %swap3A_155 = vector.shape_cast %swap3A_154 : vector<16xi32> to vector<16xi32>
        %swap3A_156 = vector.shape_cast %add3A_152 : vector<16xi32> to vector<16xi32>
        tpu.vector_store %arg12[%swap3A_153], %swap3A_156 {strides = array<i32>} : memref<128xi32, #tpu.memory_space<vmem>>, vector<16xi32>,
        %get3A_157 = arith.constant 64 : index
        %get3A_158 = tpu.vector_load %arg8[%get3A_157] {strides = array<i32>} : memref<128xi32, #tpu.memory_space<vmem>>, vector<16xi32>,
        %get3A_159 = vector.shape_cast %get3A_158 : vector<16xi32> to vector<16xi32>
        %mul3A_160 = arith.constant 10000 : i32
        %mul3A_161 = vector.broadcast %mul3A_160 : i32 to vector<16xi32>
        %mul3A_162 = arith.muli %get3A_159, %mul3A_161 : vector<16xi32>
        %get3A_163 = arith.constant 64 : index
        %get3A_164 = tpu.vector_load %arg12[%get3A_163] {strides = array<i32>} : memref<128xi32, #tpu.memory_space<vmem>>, vector<16xi32>,
        %get3A_165 = vector.shape_cast %get3A_164 : vector<16xi32> to vector<16xi32>
        %add3A_166 = arith.addi %mul3A_162, %get3A_165 : vector<16xi32>
        %swap3A_167 = arith.constant 64 : index
        %swap3A_168 = tpu.vector_load %arg12[%swap3A_167] {strides = array<i32>} : memref<128xi32, #tpu.memory_space<vmem>>, vector<16xi32>,
        %swap3A_169 = vector.shape_cast %swap3A_168 : vector<16xi32> to vector<16xi32>
        %swap3A_170 = vector.shape_cast %add3A_166 : vector<16xi32> to vector<16xi32>
        tpu.vector_store %arg12[%swap3A_167], %swap3A_170 {strides = array<i32>} : memref<128xi32, #tpu.memory_space<vmem>>, vector<16xi32>,
        %get3A_171 = arith.constant 80 : index
        %get3A_172 = tpu.vector_load %arg8[%get3A_171] {strides = array<i32>} : memref<128xi32, #tpu.memory_space<vmem>>, vector<16xi32>,
        %get3A_173 = vector.shape_cast %get3A_172 : vector<16xi32> to vector<16xi32>
        %mul3A_174 = arith.constant 10000 : i32
        %mul3A_175 = vector.broadcast %mul3A_174 : i32 to vector<16xi32>
        %mul3A_176 = arith.muli %get3A_173, %mul3A_175 : vector<16xi32>
        %get3A_177 = arith.constant 80 : index
        %get3A_178 = tpu.vector_load %arg12[%get3A_177] {strides = array<i32>} : memref<128xi32, #tpu.memory_space<vmem>>, vector<16xi32>,
        %get3A_179 = vector.shape_cast %get3A_178 : vector<16xi32> to vector<16xi32>
        %add3A_180 = arith.addi %mul3A_176, %get3A_179 : vector<16xi32>
        %swap3A_181 = arith.constant 80 : index
        %swap3A_182 = tpu.vector_load %arg12[%swap3A_181] {strides = array<i32>} : memref<128xi32, #tpu.memory_space<vmem>>, vector<16xi32>,
        %swap3A_183 = vector.shape_cast %swap3A_182 : vector<16xi32> to vector<16xi32>
        %swap3A_184 = vector.shape_cast %add3A_180 : vector<16xi32> to vector<16xi32>
        tpu.vector_store %arg12[%swap3A_181], %swap3A_184 {strides = array<i32>} : memref<128xi32, #tpu.memory_space<vmem>>, vector<16xi32>,
        %get3A_185 = arith.constant 96 : index
        %get3A_186 = tpu.vector_load %arg8[%get3A_185] {strides = array<i32>} : memref<128xi32, #tpu.memory_space<vmem>>, vector<16xi32>,
        %get3A_187 = vector.shape_cast %get3A_186 : vector<16xi32> to vector<16xi32>
        %mul3A_188 = arith.constant 10000 : i32
        %mul3A_189 = vector.broadcast %mul3A_188 : i32 to vector<16xi32>
        %mul3A_190 = arith.muli %get3A_187, %mul3A_189 : vector<16xi32>
        %get3A_191 = arith.constant 96 : index
        %get3A_192 = tpu.vector_load %arg12[%get3A_191] {strides = array<i32>} : memref<128xi32, #tpu.memory_space<vmem>>, vector<16xi32>,
        %get3A_193 = vector.shape_cast %get3A_192 : vector<16xi32> to vector<16xi32>
        %add3A_194 = arith.addi %mul3A_190, %get3A_193 : vector<16xi32>
        %swap3A_195 = arith.constant 96 : index
        %swap3A_196 = tpu.vector_load %arg12[%swap3A_195] {strides = array<i32>} : memref<128xi32, #tpu.memory_space<vmem>>, vector<16xi32>,
        %swap3A_197 = vector.shape_cast %swap3A_196 : vector<16xi32> to vector<16xi32>
        %swap3A_198 = vector.shape_cast %add3A_194 : vector<16xi32> to vector<16xi32>
        tpu.vector_store %arg12[%swap3A_195], %swap3A_198 {strides = array<i32>} : memref<128xi32, #tpu.memory_space<vmem>>, vector<16xi32>,
        %get3A_199 = arith.constant 112 : index
        %get3A_200 = tpu.vector_load %arg8[%get3A_199] {strides = array<i32>} : memref<128xi32, #tpu.memory_space<vmem>>, vector<16xi32>,
        %get3A_201 = vector.shape_cast %get3A_200 : vector<16xi32> to vector<16xi32>
        %mul3A_202 = arith.constant 10000 : i32
        %mul3A_203 = vector.broadcast %mul3A_202 : i32 to vector<16xi32>
        %mul3A_204 = arith.muli %get3A_201, %mul3A_203 : vector<16xi32>
        %get3A_205 = arith.constant 112 : index
        %get3A_206 = tpu.vector_load %arg12[%get3A_205] {strides = array<i32>} : memref<128xi32, #tpu.memory_space<vmem>>, vector<16xi32>,
        %get3A_207 = vector.shape_cast %get3A_206 : vector<16xi32> to vector<16xi32>
        %add3A_208 = arith.addi %mul3A_204, %get3A_207 : vector<16xi32>
        %swap3A_209 = arith.constant 112 : index
        %swap3A_210 = tpu.vector_load %arg12[%swap3A_209] {strides = array<i32>} : memref<128xi32, #tpu.memory_space<vmem>>, vector<16xi32>,
        %swap3A_211 = vector.shape_cast %swap3A_210 : vector<16xi32> to vector<16xi32>
        %swap3A_212 = vector.shape_cast %add3A_208 : vector<16xi32> to vector<16xi32>
        tpu.vector_store %arg12[%swap3A_209], %swap3A_212 {strides = array<i32>} : memref<128xi32, #tpu.memory_space<vmem>>, vector<16xi32>,
        %dma_wait3A_213 = arith.constant 0 : i32
        %dma_wait3A_214 = arith.constant 0 : i32
        %dma_wait3A_215 = tpu.memref_slice %arg16[%dma_wait3A_213, %dma_wait3A_214] : memref<10240x128xf32, #tpu.memory_space<vmem_shared>> -> memref<128x128xf32, #tpu.memory_space<vmem_shared>>
        %dma_wait3A_216 = arith.constant 0 : i32
        %dma_wait3A_217 = arith.constant 0 : i32
        %dma_wait3A_218 = tpu.memref_slice %arg16[%dma_wait3A_216, %dma_wait3A_217] : memref<10240x128xf32, #tpu.memory_space<vmem_shared>> -> memref<128x128xf32, #tpu.memory_space<vmem_shared>>
        tpu.wait_dma2 semaphore(%arg19 : memref<!tpu.dma_semaphore, #tpu.memory_space<semaphore_mem>>) src(%arg14 : memref<128x128xf32, #tpu.memory_space<vmem>>) dst(%dma_wait3A_218 : memref<128x128xf32, #tpu.memory_space<vmem_shared>>)
        %dma_start3A = arith.constant 0 : i32
        %dma_start3A_219 = arith.constant 0 : i32
        %dma_start3A_220 = tpu.memref_slice %arg2[%dma_start3A, %dma_start3A_219] : memref<160000x128xf32, #tpu.memory_space<hbm>> -> memref<160000x128xf32, #tpu.memory_space<hbm>>
        tpu.enqueue_indirect_dma source(%dma_start3A_220 : memref<160000x128xf32, #tpu.memory_space<hbm>>) target(%arg14 : memref<128x128xf32, #tpu.memory_space<vmem>>) offsets(%arg12 : memref<128xi32, #tpu.memory_space<vmem>>) semaphore(%arg17 : memref<!tpu.dma_semaphore, #tpu.memory_space<semaphore_mem>>)
      } else {
      }
      %add3A_91 = arith.constant 1 : i32
      %add3A_92 = arith.addi %add3A_62, %add3A_91 : i32
      %mul3A_93 = arith.constant 32 : i32
      %mul3A_94 = arith.muli %add3A_92, %mul3A_93 : i32
      %add3A_95 = arith.addi %mul3A_94, %add3A : i32
      %lt3A_96 = arith.constant 2500 : i32
      %lt3A_97 = arith.cmpi slt, %add3A_95, %lt3A_96 : i32
      %convert_element_type3A_98 = arith.extui %lt3A_97 : i1 to i32
      %cond3A_99 = arith.constant 0 : i32
      %cond3A_100 = arith.cmpi ne, %convert_element_type3A_98, %cond3A_99 : i32
      scf.if %cond3A_100 {
        %dma_wait3A_101 = arith.constant 0 : i32
        %dma_wait3A_102 = arith.constant 0 : i32
        %dma_wait3A_103 = tpu.memref_slice %arg2[%dma_wait3A_101, %dma_wait3A_102] : memref<160000x128xf32, #tpu.memory_space<hbm>> -> memref<128x128xf32, #tpu.memory_space<hbm>>
        %dma_wait3A_104 = arith.constant 0 : i32
        %dma_wait3A_105 = arith.constant 0 : i32
        %dma_wait3A_106 = tpu.memref_slice %arg2[%dma_wait3A_104, %dma_wait3A_105] : memref<160000x128xf32, #tpu.memory_space<hbm>> -> memref<128x128xf32, #tpu.memory_space<hbm>>
        tpu.wait_dma2 semaphore(%arg18 : memref<!tpu.dma_semaphore, #tpu.memory_space<semaphore_mem>>) src(%dma_wait3A_106 : memref<128x128xf32, #tpu.memory_space<hbm>>) dst(%arg15 : memref<128x128xf32, #tpu.memory_space<vmem>>)
        %dma_start3A = arith.constant 0 : i32
        %dma_start3A_107 = arith.constant 0 : i32
        %dma_start3A_108 = tpu.memref_slice %arg16[%dma_start3A, %dma_start3A_107] : memref<10240x128xf32, #tpu.memory_space<vmem_shared>> -> memref<10240x128xf32, #tpu.memory_space<vmem_shared>>
        tpu.enqueue_indirect_dma source(%arg15 : memref<128x128xf32, #tpu.memory_space<vmem>>) target(%dma_start3A_108 : memref<10240x128xf32, #tpu.memory_space<vmem_shared>>) offsets(%arg11 : memref<128xi32, #tpu.memory_space<vmem>>) semaphore(%arg20 : memref<!tpu.dma_semaphore, #tpu.memory_space<semaphore_mem>>) {add = true}
      } else {
      }
    }
    %scan3A_38 = arith.constant 38 : i32
    %add3A_39 = arith.constant 2496 : i32
    %add3A_40 = arith.addi %add3A_39, %add3A : i32
    %lt3A_41 = arith.constant 2500 : i32
    %lt3A_42 = arith.cmpi slt, %add3A_40, %lt3A_41 : i32
    %convert_element_type3A_43 = arith.extui %lt3A_42 : i1 to i32
    %cond3A_44 = arith.constant 0 : i32
    %cond3A_45 = arith.cmpi ne, %convert_element_type3A_43, %cond3A_44 : i32
    scf.if %cond3A_45 {
      %dma_wait3A_58 = arith.constant 0 : i32
      %dma_wait3A_59 = arith.constant 0 : i32
      %dma_wait3A_60 = tpu.memref_slice %arg2[%dma_wait3A_58, %dma_wait3A_59] : memref<160000x128xf32, #tpu.memory_space<hbm>> -> memref<128x128xf32, #tpu.memory_space<hbm>>
      %dma_wait3A_61 = arith.constant 0 : i32
      %dma_wait3A_62 = arith.constant 0 : i32
      %dma_wait3A_63 = tpu.memref_slice %arg2[%dma_wait3A_61, %dma_wait3A_62] : memref<160000x128xf32, #tpu.memory_space<hbm>> -> memref<128x128xf32, #tpu.memory_space<hbm>>
      tpu.wait_dma2 semaphore(%arg17 : memref<!tpu.dma_semaphore, #tpu.memory_space<semaphore_mem>>) src(%dma_wait3A_63 : memref<128x128xf32, #tpu.memory_space<hbm>>) dst(%arg14 : memref<128x128xf32, #tpu.memory_space<vmem>>)
      %dma_start3A = arith.constant 0 : i32
      %dma_start3A_64 = arith.constant 0 : i32
      %dma_start3A_65 = tpu.memref_slice %arg16[%dma_start3A, %dma_start3A_64] : memref<10240x128xf32, #tpu.memory_space<vmem_shared>> -> memref<10240x128xf32, #tpu.memory_space<vmem_shared>>
      tpu.enqueue_indirect_dma source(%arg14 : memref<128x128xf32, #tpu.memory_space<vmem>>) target(%dma_start3A_65 : memref<10240x128xf32, #tpu.memory_space<vmem_shared>>) offsets(%arg10 : memref<128xi32, #tpu.memory_space<vmem>>) semaphore(%arg19 : memref<!tpu.dma_semaphore, #tpu.memory_space<semaphore_mem>>) {add = true}
    } else {
    }
    %dma_wait3A = arith.constant 0 : i32
    %dma_wait3A_46 = arith.constant 0 : i32
    %dma_wait3A_47 = tpu.memref_slice %arg16[%dma_wait3A, %dma_wait3A_46] : memref<10240x128xf32, #tpu.memory_space<vmem_shared>> -> memref<128x128xf32, #tpu.memory_space<vmem_shared>>
    %dma_wait3A_48 = arith.constant 0 : i32
    %dma_wait3A_49 = arith.constant 0 : i32
    %dma_wait3A_50 = tpu.memref_slice %arg16[%dma_wait3A_48, %dma_wait3A_49] : memref<10240x128xf32, #tpu.memory_space<vmem_shared>> -> memref<128x128xf32, #tpu.memory_space<vmem_shared>>
    tpu.wait_dma2 semaphore(%arg19 : memref<!tpu.dma_semaphore, #tpu.memory_space<semaphore_mem>>) src(%arg14 : memref<128x128xf32, #tpu.memory_space<vmem>>) dst(%dma_wait3A_50 : memref<128x128xf32, #tpu.memory_space<vmem_shared>>)
    %dma_wait3A_51 = arith.constant 0 : i32
    %dma_wait3A_52 = arith.constant 0 : i32
    %dma_wait3A_53 = tpu.memref_slice %arg16[%dma_wait3A_51, %dma_wait3A_52] : memref<10240x128xf32, #tpu.memory_space<vmem_shared>> -> memref<128x128xf32, #tpu.memory_space<vmem_shared>>
    %dma_wait3A_54 = arith.constant 0 : i32
    %dma_wait3A_55 = arith.constant 0 : i32
    %dma_wait3A_56 = tpu.memref_slice %arg16[%dma_wait3A_54, %dma_wait3A_55] : memref<10240x128xf32, #tpu.memory_space<vmem_shared>> -> memref<128x128xf32, #tpu.memory_space<vmem_shared>>
    tpu.wait_dma2 semaphore(%arg20 : memref<!tpu.dma_semaphore, #tpu.memory_space<semaphore_mem>>) src(%arg15 : memref<128x128xf32, #tpu.memory_space<vmem>>) dst(%dma_wait3A_56 : memref<128x128xf32, #tpu.memory_space<vmem_shared>>)
    %barrier3A_57 = arith.constant 0 : index
    tpu.barrier barrier_id(%barrier3A_57)
    "tpu.region"() ({
      %run_scoped3A = tpu.sem_alloc : memref<!tpu.dma_semaphore, #tpu.memory_space<semaphore_mem>>
      %dma_start3A = arith.constant 0 : i32
      %dma_start3A_58 = tpu.memref_slice %arg7[%arg0, %mul3A_2, %dma_start3A] : memref<2x10240x128xf32, #tpu.memory_space<hbm>> -> memref<1x640x128xf32, #tpu.memory_space<hbm>>
      %dma_start3A_59 = tpu.memref_squeeze %dma_start3A_58 : memref<1x640x128xf32, #tpu.memory_space<hbm>> -> memref<640x128xf32, #tpu.memory_space<hbm>>
      %dma_start3A_60 = arith.constant 0 : i32
      %dma_start3A_61 = tpu.memref_slice %arg16[%mul3A_2, %dma_start3A_60] : memref<10240x128xf32, #tpu.memory_space<vmem_shared>> -> memref<640x128xf32, #tpu.memory_space<vmem_shared>>
      tpu.enqueue_dma source(%dma_start3A_61 : memref<640x128xf32, #tpu.memory_space<vmem_shared>>) target(%dma_start3A_59 : memref<640x128xf32, #tpu.memory_space<hbm>>) target_semaphore(%run_scoped3A : memref<!tpu.dma_semaphore, #tpu.memory_space<semaphore_mem>>)
      %dma_wait3A_62 = arith.constant 0 : i32
      %dma_wait3A_63 = tpu.memref_slice %arg7[%arg0, %mul3A_2, %dma_wait3A_62] : memref<2x10240x128xf32, #tpu.memory_space<hbm>> -> memref<1x640x128xf32, #tpu.memory_space<hbm>>
      %dma_wait3A_64 = tpu.memref_squeeze %dma_wait3A_63 : memref<1x640x128xf32, #tpu.memory_space<hbm>> -> memref<640x128xf32, #tpu.memory_space<hbm>>
      %dma_wait3A_65 = arith.constant 0 : i32
      %dma_wait3A_66 = tpu.memref_slice %arg16[%mul3A_2, %dma_wait3A_65] : memref<10240x128xf32, #tpu.memory_space<vmem_shared>> -> memref<640x128xf32, #tpu.memory_space<vmem_shared>>
      tpu.wait_dma2 semaphore(%run_scoped3A : memref<!tpu.dma_semaphore, #tpu.memory_space<semaphore_mem>>) src(%dma_wait3A_66 : memref<640x128xf32, #tpu.memory_space<vmem_shared>>) dst(%dma_wait3A_64 : memref<640x128xf32, #tpu.memory_space<hbm>>)
      tpu.yield
    }) : () -> ()
    return
  }
}

module attributes {stable_mosaic.version = 14 : i64} {
  func.func @_comb_body(%arg0: i32, %arg1: memref<2x2000x128xf32, #tpu.memory_space<vmem>>, %arg2: memref<2000x128xf32, #tpu.memory_space<vmem>>, %arg3: memref<128x128xf32, #tpu.memory_space<vmem>>, %arg4: memref<1x128xf32, #tpu.memory_space<vmem>>, %arg5: memref<2000x128xf32, #tpu.memory_space<vmem>>) attributes {dimension_semantics = [#tpu.dimension_semantics<arbitrary>], iteration_bounds = array<i64: 5>, scalar_prefetch = 0 : i64, scratch_operands = 0 : i64, tpu.core_type = #tpu.core_type<tc>, window_params = [{transform_indices = @transform_0, window_bounds = array<i64: 2, 2000, 128>}, {transform_indices = @transform_1, window_bounds = array<i64: 2000, 128>}, {pipeline_mode = #tpu.pipeline_mode<synchronous>, transform_indices = @transform_2, window_bounds = array<i64: 128, 128>}, {pipeline_mode = #tpu.pipeline_mode<synchronous>, transform_indices = @transform_3, window_bounds = array<i64: 1, 128>}, {transform_indices = @transform_4, window_bounds = array<i64: 2000, 128>}]} {
    %get3A = arith.constant 0 : index
    %get3A_0 = arith.constant 0 : index
    %get3A_1 = arith.constant 0 : index
    %get3A_2 = vector.load %arg1[%get3A, %get3A_0, %get3A_1] : memref<2x2000x128xf32, #tpu.memory_space<vmem>>, vector<1x2000x128xf32>
    %get3A_3 = vector.shape_cast %get3A_2 : vector<1x2000x128xf32> to vector<2000x128xf32>
    %get3A_4 = arith.constant 1 : index
    %get3A_5 = arith.constant 0 : index
    %get3A_6 = arith.constant 0 : index
    %get3A_7 = vector.load %arg1[%get3A_4, %get3A_5, %get3A_6] : memref<2x2000x128xf32, #tpu.memory_space<vmem>>, vector<1x2000x128xf32>
    %get3A_8 = vector.shape_cast %get3A_7 : vector<1x2000x128xf32> to vector<2000x128xf32>
    %add3A = arith.addf %get3A_3, %get3A_8 : vector<2000x128xf32>
    %get3A_9 = arith.constant 0 : index
    %get3A_10 = arith.constant 0 : index
    %get3A_11 = vector.load %arg4[%get3A_9, %get3A_10] : memref<1x128xf32, #tpu.memory_space<vmem>>, vector<1x128xf32>
    %add3A_12 = vector.broadcast %get3A_11 : vector<1x128xf32> to vector<2000x128xf32>
    %add3A_13 = arith.addf %add3A, %add3A_12 : vector<2000x128xf32>
    %get3A_14 = arith.constant 0 : index
    %get3A_15 = arith.constant 0 : index
    %get3A_16 = vector.load %arg2[%get3A_14, %get3A_15] : memref<2000x128xf32, #tpu.memory_space<vmem>>, vector<2000x128xf32>
    %get3A_17 = arith.constant 0 : index
    %get3A_18 = arith.constant 0 : index
    %get3A_19 = vector.load %arg3[%get3A_17, %get3A_18] : memref<128x128xf32, #tpu.memory_space<vmem>>, vector<128x128xf32>
    %dot_general3A = arith.constant dense<0.000000e+00> : vector<2000x128xf32>
    %dot_general3A_20 = tpu.matmul %get3A_16, %get3A_19, %dot_general3A {dimension_numbers = #tpu.dot_dimension_numbers<[1], [0], [0], [1], [0, 0, 1, 1], [], []>, transpose_lhs_hint = false} : vector<2000x128xf32>, vector<128x128xf32>, vector<2000x128xf32> -> vector<2000x128xf32>
    %add3A_21 = arith.addf %add3A_13, %dot_general3A_20 : vector<2000x128xf32>
    %swap3A = arith.constant 0 : index
    %swap3A_22 = arith.constant 0 : index
    %swap3A_23 = vector.load %arg5[%swap3A, %swap3A_22] : memref<2000x128xf32, #tpu.memory_space<vmem>>, vector<2000x128xf32>
    tpu.vector_store %arg5[%swap3A, %swap3A_22], %add3A_21 {strides = array<i32>} : memref<2000x128xf32, #tpu.memory_space<vmem>>, vector<2000x128xf32>,
    return
  }
  func.func @transform_0(%arg0: i32) -> (i32, i32, i32) {
    %c0_i32 = arith.constant 0 : i32
    %c0_i32_0 = arith.constant 0 : i32
    %c0_i32_1 = arith.constant 0 : i32
    return %c0_i32, %arg0, %c0_i32_0 : i32, i32, i32
  }
  func.func @transform_1(%arg0: i32) -> (i32, i32) {
    %c0_i32 = arith.constant 0 : i32
    %c0_i32_0 = arith.constant 0 : i32
    return %arg0, %c0_i32 : i32, i32
  }
  func.func @transform_2(%arg0: i32) -> (i32, i32) {
    %c0_i32 = arith.constant 0 : i32
    %c0_i32_0 = arith.constant 0 : i32
    %c0_i32_1 = arith.constant 0 : i32
    return %c0_i32, %c0_i32_0 : i32, i32
  }
  func.func @transform_3(%arg0: i32) -> (i32, i32) {
    %c0_i32 = arith.constant 0 : i32
    %c0_i32_0 = arith.constant 0 : i32
    %c0_i32_1 = arith.constant 0 : i32
    return %c0_i32, %c0_i32_0 : i32, i32
  }
  func.func @transform_4(%arg0: i32) -> (i32, i32) {
    %c0_i32 = arith.constant 0 : i32
    %c0_i32_0 = arith.constant 0 : i32
    return %arg0, %c0_i32 : i32, i32
  }
}

module attributes {stable_mosaic.version = 14 : i64} {
  func.func @_xw_body(%arg0: i32, %arg1: i32, %arg2: memref<2000x128xf32, #tpu.memory_space<vmem>>, %arg3: memref<1x128x128xf32, #tpu.memory_space<vmem>>, %arg4: memref<1x2000x128xf32, #tpu.memory_space<vmem>>) attributes {dimension_semantics = [#tpu.dimension_semantics<arbitrary>, #tpu.dimension_semantics<arbitrary>], iteration_bounds = array<i64: 5, 16>, scalar_prefetch = 0 : i64, scratch_operands = 0 : i64, tpu.core_type = #tpu.core_type<tc>, window_params = [{transform_indices = @transform_0, window_bounds = array<i64: 2000, 128>}, {transform_indices = @transform_1, window_bounds = array<i64: 1, 128, 128>}, {transform_indices = @transform_2, window_bounds = array<i64: 1, 2000, 128>}]} {
    %get3A = arith.constant 0 : index
    %get3A_0 = arith.constant 0 : index
    %get3A_1 = vector.load %arg2[%get3A, %get3A_0] : memref<2000x128xf32, #tpu.memory_space<vmem>>, vector<2000x128xf32>
    %get3A_2 = arith.constant 0 : index
    %get3A_3 = arith.constant 0 : index
    %get3A_4 = arith.constant 0 : index
    %get3A_5 = vector.load %arg3[%get3A_2, %get3A_3, %get3A_4] : memref<1x128x128xf32, #tpu.memory_space<vmem>>, vector<1x128x128xf32>
    %get3A_6 = vector.shape_cast %get3A_5 : vector<1x128x128xf32> to vector<128x128xf32>
    %dot_general3A = arith.constant dense<0.000000e+00> : vector<2000x128xf32>
    %dot_general3A_7 = tpu.matmul %get3A_1, %get3A_6, %dot_general3A {dimension_numbers = #tpu.dot_dimension_numbers<[1], [0], [0], [1], [0, 0, 1, 1], [], []>, transpose_lhs_hint = false} : vector<2000x128xf32>, vector<128x128xf32>, vector<2000x128xf32> -> vector<2000x128xf32>
    %swap3A = arith.constant 0 : index
    %swap3A_8 = arith.constant 0 : index
    %swap3A_9 = arith.constant 0 : index
    %swap3A_10 = vector.load %arg4[%swap3A, %swap3A_8, %swap3A_9] : memref<1x2000x128xf32, #tpu.memory_space<vmem>>, vector<1x2000x128xf32>
    %swap3A_11 = vector.shape_cast %swap3A_10 : vector<1x2000x128xf32> to vector<2000x128xf32>
    %swap3A_12 = vector.shape_cast %dot_general3A_7 : vector<2000x128xf32> to vector<1x2000x128xf32>
    tpu.vector_store %arg4[%swap3A, %swap3A_8, %swap3A_9], %swap3A_12 {strides = array<i32>} : memref<1x2000x128xf32, #tpu.memory_space<vmem>>, vector<1x2000x128xf32>,
    return
  }
  func.func @transform_0(%arg0: i32, %arg1: i32) -> (i32, i32) {
    %c0_i32 = arith.constant 0 : i32
    %c0_i32_0 = arith.constant 0 : i32
    return %arg0, %c0_i32 : i32, i32
  }
  func.func @transform_1(%arg0: i32, %arg1: i32) -> (i32, i32, i32) {
    %c0_i32 = arith.constant 0 : i32
    %c0_i32_0 = arith.constant 0 : i32
    %c0_i32_1 = arith.constant 0 : i32
    return %arg1, %c0_i32, %c0_i32_0 : i32, i32, i32
  }
  func.func @transform_2(%arg0: i32, %arg1: i32) -> (i32, i32, i32) {
    %c0_i32 = arith.constant 0 : i32
    %c0_i32_0 = arith.constant 0 : i32
    return %arg1, %arg0, %c0_i32 : i32, i32, i32
  }
}

</mosaic_0001>

<sc_bundles>
// kernel: kernel.5.cloned.1.call-start
scs
__scs_entry_jumppad:
0x0: {  	(pc) =	sbr.rel $0x88, $3  }
0x1: {  	(tag) =	ssettag $0x0;
	lr =	simm.s32 $0x1  }
0x2: {  	[smem:$0x3F9B] =	sst lr;
	_ =	strace $0xD0000000  }
0x3: {  	_ = 	snop  }
0x4: {  	_ = 	snop  }
0x5: {  	_ = 	snop  }
0x6: {  	_ = 	snop  }
0x7: {  	_ = 	snop  }
__scs_overlays_trampoline_lowered:
0x8: {  	[smem:$0x3FAA] =	sst s0  }
0x9: {  	[smem:$0x3FAB] =	sst s1  }
0xa: {  	[smem:$0x3FAC] =	sst s2  }
0xb: {  	[smem:$0x3FAD] =	sst s3  }
0xc: {  	[smem:$0x3FAE] =	sst s4  }
0xd: {  	[smem:$0x3FAF] =	sst s5  }
0xe: {  	[smem:$0x3FB0] =	sst s6  }
0xf: {  	[smem:$0x3FB1] =	sst s7  }
0x10: {  	[smem:$0x3FB2] =	sst s8  }
0x11: {  	[smem:$0x3FB3] =	sst s9;
	s0 =	simm.s32 @!p0 $0x0  }
0x12: {  	s1 =	sld [smem:$0x3F99];
	s0 =	simm.s32 @p0 $0x1  }
0x13: {  	[smem:$0x3FB4] =	sst s0;
	s0 =	simm.s32 @!p1 $0x0  }
0x14: {  	s2 =	sld [smem:$0x3F98];
	s0 =	simm.s32 @p1 $0x1  }
0x15: {  	[smem:$0x3FB5] =	sst s0;
	s0 =	simm.s32 @!p2 $0x0  }
0x16: {  	s3 =	sld [smem:$0x3FDB];
	s0 =	simm.s32 @p2 $0x1  }
0x17: {  	s4 =	simm.s32 $0x1BF5;
	[smem:$0x3FB7] =	sst s0  }
0x18: {  	s0 =	sld [smem:$0x3F9A];
	_ =	swait.ge [sflag:s4], $0x0  }
0x19: {  	s7 =	sld [smem:$0x3F9B]  }
0x1a: {  	s8 =	sadd.s32 $0xFFFFE003, lr  }
0x1b: {  	s9 =	sadd.s32 $0xFFFFFEF7, lr;
	s5 =	simm.s32 $0xFFFFFFFF;
	p2 =	slt.u32 s8, $0xFFFFF086  }
0x1c: {  	p1 =	slt.u32 s9, $0xF7A;
	s5 =	simm.s32 @!p2 $0x0  }
0x1d: {  	s5 =	simm.s32 @p1 $0x1;
	p0 =	seq.s32 s7, s2  }
0x1e: {  	s7 =	smul.u32 @!p0 $0xF7A, s2;
	p2 =	seq.s32 @!p0 s5, $0x0  }
0x1f: {  	s9 =	smul.u32 $0xF7A, s1;
	s8 =	simm.s32 @!p0 $0x1BF5;
	p2 =	por !p2, p0  }
0x20: {  	[sflag:s8] =	ssyncset.s32 @!p0 $0xFFFFF086;
	s6 =	sadd.s32 @!p0 s3, s7;
	s7 =	simm.s32 @!p0 $0x108  }
0x21: {  	s3 =	sadd.s32 s3, s9;
	s6 =	sadd.s32 @!p0 $0x88, s6;
	s7 =	simm.s32 @p2 $0x1082  }
0x22: {  	[simem:s7], [sflag:s8] =	dma.local @!p0 [hbm:s6], $0xF7A  }
0x23: {  	s9 =	sor.u32 $0xD0000000, s2;
	s6 =	simm.s32 $0x108;
	_ =	swait.ge @!p0 [sflag:s8], $0x0  }
0x24: {  	s3 =	sadd.s32 $0x88, s3;
	s6 =	simm.s32 @!p1 $0x1082;
	[sflag:s4] =	ssyncset.s32 $0xFFFFF086  }
0x25: {  	[simem:s6], [sflag:s4] =	dma.local [hbm:s3], $0xF7A  }
0x26: {  	[smem:$0x3F9B] =	sst s1;
	(tag) =	ssettag s2;
	_ =	strace s9  }
0x27: {  	s1 =	sld [smem:$0x3FAB]  }
0x28: {  	s2 =	sld [smem:$0x3FAC]  }
0x29: {  	s4 =	sld [smem:$0x3FAE]  }
0x2a: {  	p0 =	seq.s32 s5, $0x0;
	s5 =	sld [smem:$0x3FAF]  }
0x2b: {  	s6 =	sld [smem:$0x3FB0]  }
0x2c: {  	s7 =	sld [smem:$0x3FB1]  }
0x2d: {  	s3 =	simm.s32 $0x108;
	s8 =	sld [smem:$0x3FB2]  }
0x2e: {  	s3 =	simm.s32 @!p0 $0x1082;
	s9 =	sld [smem:$0x3FB3]  }
0x2f: {  	lr =	sadd.s32 s0, s3;
	s0 =	sld [smem:$0x3FAA]  }
0x30: {  	s3 =	sld [smem:$0x3FAD]  }
0x31: {  	[smem:$0x3FB6] =	sst s10  }
0x32: {  	s10 =	sld [smem:$0x3FB4];
	_ =	sdelay $0x3  }
0x33: {  	p0 =	seq.s32 s10, $0x1;
	s10 =	sld [smem:$0x3FB6];
	_ =	sdelay $0x3  }
0x34: {  	[smem:$0x3FB6] =	sst s10  }
0x35: {  	s10 =	sld [smem:$0x3FB5];
	_ =	sdelay $0x3  }
0x36: {  	p1 =	seq.s32 s10, $0x1;
	s10 =	sld [smem:$0x3FB6];
	_ =	sdelay $0x3  }
0x37: {  	[smem:$0x3FB6] =	sst s10  }
0x38: {  	s10 =	sld [smem:$0x3FB7]  }
0x39: {  	_ = 	snop;
	(pc) =	sbr.ind lr, $3  }
0x3a: {  	_ = 	snop  }
0x3b: {  	_ = 	snop  }
0x3c: {  	p2 =	seq.s32 s10, $0x1;
	s10 =	sld [smem:$0x3FB6]  }
0x3d: {  	_ =	shalt  }
0x3e: {  	_ =	shalt  }
0x3f: {  	_ =	shalt  }
0x40: {  	_ =	shalt  }
0x41: {  	_ =	shalt  }
0x42: {  	_ =	shalt  }
0x43: {  	_ =	shalt  }
0x44: {  	_ =	shalt  }
0x45: {  	_ =	shalt  }
0x46: {  	_ =	shalt  }
0x47: {  	_ =	shalt  }
0x48: {  	_ =	shalt  }
0x49: {  	_ =	shalt  }
0x4a: {  	_ =	shalt  }
0x4b: {  	_ =	shalt  }
0x4c: {  	_ =	shalt  }
0x4d: {  	_ =	shalt  }
0x4e: {  	_ =	shalt  }
0x4f: {  	_ =	shalt  }
0x50: {  	_ =	shalt  }
0x51: {  	_ =	shalt  }
0x52: {  	_ =	shalt  }
0x53: {  	_ =	shalt  }
0x54: {  	_ =	shalt  }
0x55: {  	_ =	shalt  }
0x56: {  	_ =	shalt  }
0x57: {  	_ =	shalt  }
0x58: {  	_ =	shalt  }
0x59: {  	_ =	shalt  }
0x5a: {  	_ =	shalt  }
0x5b: {  	_ =	shalt  }
0x5c: {  	_ =	shalt  }
0x5d: {  	_ =	shalt  }
0x5e: {  	_ =	shalt  }
0x5f: {  	_ =	shalt  }
0x60: {  	_ =	shalt  }
0x61: {  	_ =	shalt  }
0x62: {  	_ =	shalt  }
0x63: {  	_ =	shalt  }
0x64: {  	_ =	shalt  }
0x65: {  	_ =	shalt  }
0x66: {  	_ =	shalt  }
0x67: {  	_ =	shalt  }
0x68: {  	_ =	shalt  }
0x69: {  	_ =	shalt  }
0x6a: {  	_ =	shalt  }
0x6b: {  	_ =	shalt  }
0x6c: {  	_ =	shalt  }
0x6d: {  	_ =	shalt  }
0x6e: {  	_ =	shalt  }
0x6f: {  	_ =	shalt  }
0x70: {  	_ =	shalt  }
0x71: {  	_ =	shalt  }
0x72: {  	_ =	shalt  }
0x73: {  	_ =	shalt  }
0x74: {  	_ =	shalt  }
0x75: {  	_ =	shalt  }
0x76: {  	_ =	shalt  }
0x77: {  	_ =	shalt  }
0x78: {  	_ =	shalt  }
0x79: {  	_ =	shalt  }
0x7a: {  	_ =	shalt  }
0x7b: {  	_ =	shalt  }
0x7c: {  	_ =	shalt  }
0x7d: {  	_ =	shalt  }
0x7e: {  	_ =	shalt  }
0x7f: {  	_ =	shalt  }
0x80: {  	_ =	shalt  }
0x81: {  	_ =	shalt  }
0x82: {  	_ =	shalt  }
0x83: {  	_ =	shalt  }
0x84: {  	_ =	shalt  }
0x85: {  	_ =	shalt  }
0x86: {  	_ =	shalt  }
0x87: {  	_ =	shalt  }
.Lfunc_end0:
.L_simem_size_0:
called_computation_lowered:
.L_overlay_start_0:
0x88: {  	s2 =	sld [smem:$0x3FD9]  }
0x89: {  	s3 =	sld [smem:$0x3FFE];
	_ =	sdelay $0x1  }
0x8a: {  	s1 =	srdreg.scid  }
0x8b: {  	s0 =	sand.u32 $0x1, s1  }
0x8c: {  	s17 =	sshll.u32 s0, $0xA;
	s2 =	sadd.s32 s3, s2  }
0x8d: {  	s2 =	sadd.s32 s2, s17  }
0x8e: {  	[smem:$0x3FC2] =	sst s2  }
0x8f: {  	_ = 	snop  }
0x90: {  	s2 =	sld [smem:$0x3FC7]  }
0x91: {  	s18 =	sld [smem:$0x3FD0];
	(tm) =	ssettm $0x1  }
0x92: {  	s4 =	sld [smem:$0x3FFB];
	_ =	sdelay $0x3  }
0x93: {  	_ =	strace s4  }
0x94: {  	s4 =	sld [smem:$0x3FFC];
	_ =	sdelay $0x3  }
0x95: {  	_ =	strace s4  }
0x96: {  	s4 =	sld [smem:$0x3FFD];
	_ =	sdelay $0x3  }
0x97: {  	_ =	strace s4  }
0x98: {  	_ =	strace $0x8FFFFFFF  }
0x99: {  	s19 =	sld [smem:$0x3FDB];
	_ =	sdelay $0x1  }
0x9a: {  	s5 =	simm.s32 $_scs_section_size  }
0x9b: {  	s6 =	simm.s32 $_size__tile_overlayer_lowered;
	s7 =	simm.s32 $_tile_overlayer_lowered  }
0x9c: {  	s22 =	simm.s32 $0x1BFF;
	s21 =	sshll.u32 s7, $0x1;
	s4 =	sadd.s32 s5, s19  }
0x9d: {  	s8 =	simm.s32 $0x0;
	s20 =	sshll.u32 s6, $0x1;
	s6 =	sadd.s32 s21, s4  }
0x9e: {  	[timem:s8], [sflag:s22] =	dma.local [hbm:s6], s20  }
0x9f: {  	_ =	swait.ge [sflag:s22], s20  }
0xa0: {  	s5 =	ssub.s32 $0x0, s20;
	[sflag:s22] =	ssyncset.done $0x0  }
0xa1: {  	[sflag:s22] =	ssyncadd.s32 s5;
	_ =	sdelay $0x1  }
0xa2: {  	s23 =	simm.s32 $0x1B8B  }
0xa3: {  	_ =	swait.ge [sflag:s23], $0x1  }
0xa4: {  	[sflag:s23] =	ssyncset.done $0x0  }
0xa5: {  	s25 =	simm.s32 $0x1B8E;
	s24 =	sld [smem:$0x3FFE];
	[sflag:s23] =	ssyncadd.s32 $0xFFFFFFFF  }
0xa6: {  	s26 =	simm.s32 $execute0_lowered;
	[smem:$0x3FD2] =	sst s25  }
0xa7: {  	s6 =	sshll.u32 s26, $0x1;
	_ =	strace $0x80000046;
	[dreg:$0x1] =	wrdreg $0xFFFFFFFF  }
0xa8: {  	s28 =	simm.s32 $_size_execute0_lowered;
	s4 =	sadd.s32 s4, s6;
	[dreg:$0x0] =	wrdreg $0x0  }
0xa9: {  	s6 =	sshll.u32 s28, $0x1;
	[dreg:$0x2] =	wrdreg s4  }
0xaa: {  	[dreg:$0x3] =	wrdreg s6  }
0xab: {  	[dreg:$0x4] =	wrdreg $0xC0  }
0xac: {  	_ =	task [dreg:s8], $0x5FFFF  }
0xad: {  	[dreg:$0x1] =	wrdreg $0xFFFFFFFF  }
0xae: {  	[dreg:$0x0] =	wrdreg $0x60  }
0xaf: {  	[dreg:$0x2] =	wrdreg s24  }
0xb0: {  	[dreg:$0x3] =	wrdreg s2  }
0xb1: {  	[dreg:$0x4] =	wrdreg s18  }
0xb2: {  	[dreg:$0x5] =	wrdreg $0x83000  }
0xb3: {  	[dreg:$0x6] =	wrdreg $0x9  }
0xb4: {  	_ =	task.clear_ibuf [dreg:s8], $0x7FFFF;
	_ =	strace $0x90000046  }
0xb5: {  	s29 =	simm.s32 $0x9;
	_ =	strace $0x80000048  }
0xb6: {  	_ =	swait.ge [sflag:s29], $0x1  }
0xb7: {  	[sflag:s29] =	ssyncadd.s32 $0xFFFFFFFF  }
0xb8: {  	_ =	strace $0x90000048  }
0xb9: {  	_ =	sfence  }
0xba: {  	s30 =	sld [smem:$0x0];
	_ =	sdelay $0x2  }
0xbb: {  	s31 =	sshll.u32 s1, $0xD;
	s1 =	sshrl.u32 s1, $0x2  }
0xbc: {  	s3 =	sand.u32 $0x4000, s31;
	s1 =	sadd.s32 s1, s30  }
0xbd: {  	s0 =	sor.u32 s3, s0;
	s1 =	sshll.u32 s1, $0x11  }
0xbe: {  	s0 =	sor.u32 s1, s0  }
0xbf: {  	s0 =	sadd.s32 $0x8F2B, s0  }
0xc0: {  	[sflag:s0] =	ssyncadd.remote.s32 $0x1  }
0xc1: {  	_ =	sfence.sel $0xFFFF  }
0xc2: {  	[dreg:$0x0] =	wrdreg $0xFFFFFFFF;
	(pc) =	sbr.abs _section_cstart, $3  }
0xc3: {  	[dreg:$0x1] =	wrdreg $0xFFFFFFFF  }
0xc4: {  	_ =	task.clear_ibuf [dreg:s8], $0x2FFFF;
	_ =	strace $0x9FFFFFFF  }
0xc5: {  	(tm) =	ssettm $0x7FFFFFFF  }
tec
execute0_lowered:
.L_overlay_start_1:
0x0: {  	(tag) =	ssettag $0x1  }
0x1: {  	s0 =	rddreg [dreg:$0x0]  }
0x2: {  	s1 =	rddreg [dreg:$0x1]  }
0x3: {  	s5 =	rddreg [dreg:$0x2]  }
0x4: {  	s2 =	rddreg [dreg:$0x3]  }
0x5: {  	s13 =	stileid.u32;
	s4 =	srdreg.scid  }
0x6: {  	s3 =	simm.s32 $0x0;
	s28 =	simm.s32 $0x300;
	s29 =	simm.s32 $0x280  }
0x7: {  	s30 =	simm.s32 $0x180;
	s31 =	simm.s32 $0x4300;
	s6 =	smul.u32 $0x14000, s13  }
0x8: {  	s8 =	sand.u32 $0x1, s4;
	[smem:$0x7FF] =	sst s3;
	s4 =	sadd.s32 $0xA400, s0  }
0x9: {  	s9 =	sadd.s32 $0x600, s0;
	s11 =	smul.u32 $0x50000, s13;
	s15 =	sshll.u32 s13, $0x6  }
0xa: {  	s7 =	smul.u32 $0x140000, s8;
	_ =	strace $0x80000047;
	s25 =	ssub.s32 $0x2, s8  }
0xb: {  	s12 =	sshll.u32 s8, $0x4;
	s8 =	sshll.u32 s8, $0x8;
	s10 =	sshrl.u32 s6, $0x3  }
0xc: {  	s26 =	sshrl.u32 s25, $0x1;
	s11 =	sshrl.u32 s11, $0x2;
	s12 =	sor.u32 s13, s12  }
0xd: {  	s24 =	sadd.s32 s8, s5;
	s6 =	sadd.s32 s6, s7;
	s10 =	sadd.s32 s10, s0  }
0xe: {  	s14 =	sadd.s32 s11, s2;
	s7 =	sor.u32 $0x1C05, s15;
	s16 =	sshll.u32 s12, $0x4  }
0xf: {  	p0 =	sgt.u32 s12, $0x3;
	[dreg:$0x5] =	wrdreg s14;
	s10 =	sadd.s32 $0x27B400, s10  }
0x10: {  	s6 =	sshrl.u32 s6, $0x3;
	s17 =	sadd.s32 s9, s16;
	[dreg:$0x6] =	wrdreg s10  }
0x11: {  	s18 =	sadd.s32 s1, s16;
	s19 =	sor.u32 $0x200, s16;
	[dreg:$0x7] =	wrdreg s17  }
0x12: {  	s14 =	sadd.s32 s5, s16;
	s0 =	sadd.s32 s6, s0;
	[dreg:$0x8] =	wrdreg s18  }
0x13: {  	s6 =	ssub.s32 s25, s26;
	[dreg:$0x9] =	wrdreg s14;
	s20 =	sadd.s32 s9, s19  }
0x14: {  	s10 =	sor.u32 $0x400, s16;
	s21 =	sadd.s32 s1, s19;
	[dreg:$0xa] =	wrdreg s20  }
0x15: {  	s11 =	sadd.s32 s5, s19;
	s25 =	sshll.u32 s13, $0x4;
	[dreg:$0xb] =	wrdreg s21  }
0x16: {  	s26 =	sadd.s32 s8, s9;
	[dreg:$0xc] =	wrdreg s11;
	s22 =	sadd.s32 s9, s10  }
0x17: {  	s23 =	sadd.s32 s1, s10;
	s16 =	sadd.s32 s5, s10;
	s17 =	sadd.s32 $0x2A3400, s0  }
0x18: {  	s18 =	smax.u32 s6, $0x1;
	s1 =	sadd.s32 s8, s1;
	s19 =	sadd.s32 s25, s24  }
.Ltmp0:
0x19: {  	s21 =	sadd.s32 s25, s26;
	s10 =	sor.u32 $0x80, s12;
	(pc) =	sbr.rel .LBB2_1-.Ltmp0, $4  }
0x1a: {  	s24 =	simm.s32 $0x200;
	s26 =	simm.s32 $0x80;
	s0 =	simm.s32 $0x1  }
0x1b: {  	s5 =	simm.s32 $0x2;
	s6 =	simm.s32 $0x4;
	[dreg:$0xd] =	wrdreg s22  }
0x1c: {  	s8 =	simm.s32 $0x0;
	[dreg:$0xe] =	wrdreg s23;
	s20 =	sadd.s32 s25, s1  }
0x1d: {  	s23 =	simm.s32 $0x5;
	s25 =	simm.s32 $0x100;
	s1 =	simm.s32 $0x3  }
.LBB2_5:
0x1e: {  	s11 =	simm.s32 @!p0 $0x1  }
0x1f: {  	_ =	swait.ge @!p0 [sflag:s11], $0x4000  }
0x20: {  	s12 =	simm.s32 @!p0 $0x100;
	[sflag:s11] =	ssyncset.done @!p0 $0x0  }
0x21: {  	s13 =	simm.s32 @!p0 $0x300;
	[sflag:s11] =	ssyncadd.s32 @!p0 $0xFFFFC000;
	s11 =	simm.s32 @!p0 $0x80  }
0x22: {  	[spmem:s2] =	stream.indirect.scatter.add.f32 @!p0 [tilespmem:s13], [sflag:$0x3], $0x80, s12, s11, $0xb8;
	[tilespmem:$0x1C300] =	vst v63  }
0x23: {  	_ =	swait.ge [sflag:s1], $0x4000  }
0x24: {  	[sflag:s1] =	ssyncset.done $0x0  }
0x25: {  	[sflag:s1] =	ssyncadd.s32 $0xFFFFC000  }
0x26: {  	_ =	swait.ge [sflag:s6], $0x4000  }
0x27: {  	s8 =	sadd.s32 $0x1, s8;
	[sflag:s6] =	ssyncset.done $0x0  }
0x28: {  	p1 =	sne.s32 s8, s18;
	[sflag:s6] =	ssyncadd.s32 $0xFFFFC000  }
.Ltmp1:
0x29: {  	[bflag:$0x0] =	sbarrier.arrive $0xFFFF;
	(pc) =	sbr.rel @!p1 .LBB2_6-.Ltmp1, $4  }
0x2a: {  	[hbm:s17], [sflag:s7] =	dma.local [spmem:s9], $0x2800  }
0x2b: {  	_ =	swait.ge [sflag:s23], $0x2800  }
0x2c: {  	[sflag:s23] =	ssyncset.done $0x0  }
0x2d: {  	[sflag:s23] =	ssyncadd.s32 $0xFFFFD800  }
.LBB2_1:
0x2e: {  	s9 =	rddreg [dreg:$0x5]  }
0x2f: {  	s11 =	rddreg [dreg:$0x6];
	s9 =	sshrl.u32 s9, $0x3  }
0x30: {  	[spmem:s9], [sflag:s7] =	dma.local [hbm:s11], $0x2800  }
0x31: {  	_ =	swait.ge [sflag:s23], $0x2800  }
0x32: {  	[sflag:s23] =	ssyncset.done $0x0  }
0x33: {  	[sflag:s23] =	ssyncadd.s32 $0xFFFFD800  }
0x34: {  	[bflag:$0x0] =	sbarrier.arrive $0xFFFF  }
0x35: {  	s14 =	rddreg [dreg:$0x7]  }
0x36: {  	[tilespmem:s24], [sflag:$0x5] =	stream.linear.gather [hbm4b:s14+s3], $0x80, $0x38;
	[tilespmem:$0x1C300] =	vst v63  }
0x37: {  	_ =	swait.ge [sflag:s23], $0x80  }
0x38: {  	[sflag:s23] =	ssyncset.done $0x0  }
0x39: {  	s15 =	rddreg [dreg:$0x8];
	[sflag:s23] =	ssyncadd.s32 $0xFFFFFF80  }
0x3a: {  	[tilespmem:s3], [sflag:$0x5] =	stream.linear.gather [hbm4b:s15+s3], $0x80, $0x38;
	[tilespmem:$0x1C300] =	vst v63  }
0x3b: {  	_ =	swait.ge [sflag:s23], $0x80  }
0x3c: {  	[sflag:s23] =	ssyncset.done $0x0  }
0x3d: {  	s22 =	rddreg [dreg:$0x9];
	[sflag:s23] =	ssyncadd.s32 $0xFFFFFF80  }
0x3e: {  	[tilespmem:s25], [sflag:$0x5] =	stream.linear.gather [hbm4b:s22+s3], $0x80, $0x38;
	[tilespmem:$0x1C300] =	vst v63  }
0x3f: {  	_ =	swait.ge [sflag:s23], $0x80  }
0x40: {  	[sflag:s23] =	ssyncset.done $0x0  }
0x41: {  	[sflag:s23] =	ssyncadd.s32 $0xFFFFFF80  }
0x42: {  	v0 =	vld [tilespmem:$0x0]  }
0x43: {  	v1 =	vld [tilespmem:$0x200]  }
0x44: {  	v2 =	vld [tilespmem:$0x10]  }
0x45: {  	v3 =	vld [tilespmem:$0x210]  }
0x46: {  	v4 =	vld [tilespmem:$0x20]  }
0x47: {  	v5 =	vld [tilespmem:$0x220]  }
0x48: {  	v6 =	vld [tilespmem:$0x30]  }
0x49: {  	v7 =	vld [tilespmem:$0x230]  }
0x4a: {  	v8 =	vld [tilespmem:$0x40]  }
0x4b: {  	v9 =	vld [tilespmem:$0x240]  }
0x4c: {  	v10 =	vld [tilespmem:$0x50]  }
0x4d: {  	v11 =	vld [tilespmem:$0x250];
	v0 =	vmul.u32 $0x2710, v0  }
0x4e: {  	v12 =	vld [tilespmem:$0x60];
	v2 =	vmul.u32 $0x2710, v2  }
0x4f: {  	v39 =	vld [tilespmem:$0x70];
	v38 =	vmul.u32 $0x2710, v4;
	v0 =	vadd.s32 v1, v0  }
0x50: {  	v42 =	vld [tilespmem:$0x260];
	v41 =	vmul.u32 $0x2710, v6;
	v40 =	vadd.s32 v3, v2;
	[tilespmem:$0x200] =	vst v0  }
0x51: {  	v45 =	vld [tilespmem:$0x270];
	v44 =	vmul.u32 $0x2710, v8;
	v43 =	vadd.s32 v5, v38;
	[tilespmem:$0x210] =	vst v40  }
0x52: {  	v47 =	vmul.u32 $0x2710, v10;
	v46 =	vadd.s32 v7, v41;
	[tilespmem:$0x220] =	vst v43  }
0x53: {  	v49 =	vmul.u32 $0x2710, v12;
	v48 =	vadd.s32 v9, v44;
	[tilespmem:$0x230] =	vst v46  }
0x54: {  	v51 =	vmul.u32 $0x2710, v39;
	v50 =	vadd.s32 v11, v47;
	[tilespmem:$0x240] =	vst v48  }
0x55: {  	v52 =	vadd.s32 v42, v49;
	[tilespmem:$0x250] =	vst v50  }
0x56: {  	v53 =	vadd.s32 v45, v51;
	[tilespmem:$0x260] =	vst v52  }
0x57: {  	[tilespmem:$0x270] =	vst v53  }
0x58: {  	[tilespmem:s28], [sflag:$0x1] =	stream.indirect.gather [hbm4b:s4+s26], $0x80, s24, s26, $0xb8;
	[tilespmem:$0x1C300] =	vst v63  }
0x59: {  	s12 =	rddreg [dreg:$0xa]  }
0x5a: {  	[tilespmem:s29], [sflag:$0x5] =	stream.linear.gather [hbm4b:s12+s3], $0x80, $0x38;
	[tilespmem:$0x1C300] =	vst v63  }
0x5b: {  	_ =	swait.ge [sflag:s23], $0x80  }
0x5c: {  	[sflag:s23] =	ssyncset.done $0x0  }
0x5d: {  	s13 =	rddreg [dreg:$0xb];
	[sflag:s23] =	ssyncadd.s32 $0xFFFFFF80  }
0x5e: {  	[tilespmem:s26], [sflag:$0x5] =	stream.linear.gather [hbm4b:s13+s3], $0x80, $0x38;
	[tilespmem:$0x1C300] =	vst v63  }
0x5f: {  	_ =	swait.ge [sflag:s23], $0x80  }
0x60: {  	[sflag:s23] =	ssyncset.done $0x0  }
0x61: {  	s14 =	rddreg [dreg:$0xc];
	[sflag:s23] =	ssyncadd.s32 $0xFFFFFF80  }
0x62: {  	[tilespmem:s30], [sflag:$0x5] =	stream.linear.gather [hbm4b:s14+s3], $0x80, $0x38;
	[tilespmem:$0x1C300] =	vst v63  }
0x63: {  	_ =	swait.ge [sflag:s23], $0x80  }
0x64: {  	[sflag:s23] =	ssyncset.done $0x0  }
0x65: {  	[sflag:s23] =	ssyncadd.s32 $0xFFFFFF80  }
0x66: {  	v54 =	vld [tilespmem:$0x80]  }
0x67: {  	v55 =	vld [tilespmem:$0x280]  }
0x68: {  	v56 =	vld [tilespmem:$0x90]  }
0x69: {  	v57 =	vld [tilespmem:$0x290]  }
0x6a: {  	v58 =	vld [tilespmem:$0xA0]  }
0x6b: {  	v59 =	vld [tilespmem:$0x2A0]  }
0x6c: {  	v60 =	vld [tilespmem:$0xB0]  }
0x6d: {  	v61 =	vld [tilespmem:$0x2B0]  }
0x6e: {  	v62 =	vld [tilespmem:$0xC0]  }
0x6f: {  	v63 =	vld [tilespmem:$0x2C0]  }
0x70: {  	v16 =	vld [tilespmem:$0xD0]  }
0x71: {  	v17 =	vld [tilespmem:$0x2D0];
	v0 =	vmul.u32 $0x2710, v54  }
0x72: {  	v18 =	vld [tilespmem:$0xE0];
	v2 =	vmul.u32 $0x2710, v56  }
0x73: {  	v20 =	vld [tilespmem:$0xF0];
	v19 =	vmul.u32 $0x2710, v58;
	v0 =	vadd.s32 v55, v0  }
0x74: {  	v23 =	vld [tilespmem:$0x2E0];
	v22 =	vmul.u32 $0x2710, v60;
	v21 =	vadd.s32 v57, v2;
	[tilespmem:$0x280] =	vst v0  }
0x75: {  	v26 =	vld [tilespmem:$0x2F0];
	v25 =	vmul.u32 $0x2710, v62;
	v24 =	vadd.s32 v59, v19;
	[tilespmem:$0x290] =	vst v21  }
0x76: {  	v28 =	vmul.u32 $0x2710, v16;
	v27 =	vadd.s32 v61, v22;
	[tilespmem:$0x2A0] =	vst v24  }
0x77: {  	v30 =	vmul.u32 $0x2710, v18;
	v29 =	vadd.s32 v63, v25;
	[tilespmem:$0x2B0] =	vst v27  }
0x78: {  	v32 =	vmul.u32 $0x2710, v20;
	v31 =	vadd.s32 v17, v28;
	[tilespmem:$0x2C0] =	vst v29  }
0x79: {  	v33 =	vadd.s32 v23, v30;
	[tilespmem:$0x2D0] =	vst v31  }
0x7a: {  	v34 =	vadd.s32 v26, v32;
	[tilespmem:$0x2E0] =	vst v33  }
0x7b: {  	[tilespmem:$0x2F0] =	vst v34  }
0x7c: {  	[tilespmem:s31], [sflag:$0x2] =	stream.indirect.gather [hbm4b:s4+s26], $0x80, s29, s26, $0xb8;
	[tilespmem:$0x1C300] =	vst v63  }
0x7d: {  	_ =	swait.ge [sflag:s0], $0x4000  }
0x7e: {  	[sflag:s0] =	ssyncset.done $0x0  }
0x7f: {  	[sflag:s0] =	ssyncadd.s32 $0xFFFFC000  }
0x80: {  	[spmem:s2] =	stream.indirect.scatter.add.f32 [tilespmem:s28], [sflag:$0x3], $0x80, s25, s26, $0xb8;
	[tilespmem:$0x1C300] =	vst v63  }
0x81: {  	s15 =	rddreg [dreg:$0xd]  }
0x82: {  	[tilespmem:s24], [sflag:$0x5] =	stream.linear.gather [hbm4b:s15+s3], $0x80, $0x38;
	[tilespmem:$0x1C300] =	vst v63  }
0x83: {  	_ =	swait.ge [sflag:s23], $0x80  }
0x84: {  	[sflag:s23] =	ssyncset.done $0x0  }
0x85: {  	s22 =	rddreg [dreg:$0xe];
	[sflag:s23] =	ssyncadd.s32 $0xFFFFFF80  }
0x86: {  	[tilespmem:s3], [sflag:$0x5] =	stream.linear.gather [hbm4b:s22+s3], $0x80, $0x38;
	[tilespmem:$0x1C300] =	vst v63  }
0x87: {  	_ =	swait.ge [sflag:s23], $0x80  }
0x88: {  	[sflag:s23] =	ssyncset.done $0x0  }
0x89: {  	[sflag:s23] =	ssyncadd.s32 $0xFFFFFF80  }
0x8a: {  	[tilespmem:s25], [sflag:$0x5] =	stream.linear.gather [hbm4b:s16+s3], $0x80, $0x38;
	[tilespmem:$0x1C300] =	vst v63  }
0x8b: {  	_ =	swait.ge [sflag:s23], $0x80  }
0x8c: {  	[sflag:s23] =	ssyncset.done $0x0  }
0x8d: {  	[sflag:s23] =	ssyncadd.s32 $0xFFFFFF80  }
0x8e: {  	v35 =	vld [tilespmem:$0x0]  }
0x8f: {  	v36 =	vld [tilespmem:$0x200]  }
0x90: {  	v37 =	vld [tilespmem:$0x10]  }
0x91: {  	v38 =	vld [tilespmem:$0x210]  }
0x92: {  	v39 =	vld [tilespmem:$0x20]  }
0x93: {  	v40 =	vld [tilespmem:$0x220]  }
0x94: {  	v41 =	vld [tilespmem:$0x30]  }
0x95: {  	v42 =	vld [tilespmem:$0x230]  }
0x96: {  	v43 =	vld [tilespmem:$0x40]  }
0x97: {  	v44 =	vld [tilespmem:$0x240]  }
0x98: {  	v45 =	vld [tilespmem:$0x50]  }
0x99: {  	v46 =	vld [tilespmem:$0x250];
	v0 =	vmul.u32 $0x2710, v35  }
0x9a: {  	v47 =	vld [tilespmem:$0x60];
	v2 =	vmul.u32 $0x2710, v37  }
0x9b: {  	v49 =	vld [tilespmem:$0x70];
	v48 =	vmul.u32 $0x2710, v39;
	v0 =	vadd.s32 v36, v0  }
0x9c: {  	v52 =	vld [tilespmem:$0x260];
	v51 =	vmul.u32 $0x2710, v41;
	v50 =	vadd.s32 v38, v2;
	[tilespmem:$0x200] =	vst v0  }
0x9d: {  	v55 =	vld [tilespmem:$0x270];
	v54 =	vmul.u32 $0x2710, v43;
	v53 =	vadd.s32 v40, v48;
	[tilespmem:$0x210] =	vst v50  }
0x9e: {  	v57 =	vmul.u32 $0x2710, v45;
	v56 =	vadd.s32 v42, v51;
	[tilespmem:$0x220] =	vst v53  }
0x9f: {  	v59 =	vmul.u32 $0x2710, v47;
	v58 =	vadd.s32 v44, v54;
	[tilespmem:$0x230] =	vst v56  }
0xa0: {  	v61 =	vmul.u32 $0x2710, v49;
	v60 =	vadd.s32 v46, v57;
	[tilespmem:$0x240] =	vst v58  }
0xa1: {  	v62 =	vadd.s32 v52, v59;
	[tilespmem:$0x250] =	vst v60  }
0xa2: {  	v63 =	vadd.s32 v55, v61;
	[tilespmem:$0x260] =	vst v62  }
0xa3: {  	[tilespmem:$0x270] =	vst v63  }
0xa4: {  	_ =	swait.ge [sflag:s1], $0x4000  }
0xa5: {  	[sflag:s1] =	ssyncset.done $0x0  }
0xa6: {  	[sflag:s1] =	ssyncadd.s32 $0xFFFFC000  }
0xa7: {  	[tilespmem:s28], [sflag:$0x1] =	stream.indirect.gather [hbm4b:s4+s26], $0x80, s24, s26, $0xb8;
	[tilespmem:$0x1C300] =	vst v63  }
.Ltmp2:
0xa8: {  	_ = 	snop;
	(pc) =	sbr.rel .LBB2_2-.Ltmp2, $4  }
0xa9: {  	_ =	swait.ge [sflag:s5], $0x4000  }
0xaa: {  	[sflag:s5] =	ssyncset.done $0x0  }
0xab: {  	s11 =	simm.s32 $0x0;
	s22 =	smov.u32 s10;
	[sflag:s5] =	ssyncadd.s32 $0xFFFFC000  }
0xac: {  	[spmem:s2] =	stream.indirect.scatter.add.f32 [tilespmem:s31], [sflag:$0x4], $0x80, s30, s26, $0xb8;
	[tilespmem:$0x1C300] =	vst v63  }
.LBB2_4:
0xad: {  	s11 =	sadd.s32 $0x400, s11  }
0xae: {  	p1 =	sne.s32 s11, $0x9800  }
.Ltmp3:
0xaf: {  	_ = 	snop;
	(pc) =	sbr.rel @!p1 .LBB2_5-.Ltmp3, $4  }
0xb0: {  	_ =	swait.ge [sflag:s5], $0x4000  }
0xb1: {  	[sflag:s5] =	ssyncset.done $0x0  }
0xb2: {  	s22 =	sadd.s32 $0x40, s22;
	[sflag:s5] =	ssyncadd.s32 $0xFFFFC000  }
0xb3: {  	[spmem:s2] =	stream.indirect.scatter.add.f32 [tilespmem:s31], [sflag:$0x4], $0x80, s30, s26, $0xb8;
	[tilespmem:$0x1C300] =	vst v63  }
.LBB2_2:
0xb4: {  	s12 =	sadd.s32 s11, s21  }
0xb5: {  	s13 =	sadd.s32 $0x600, s12  }
0xb6: {  	[tilespmem:s29], [sflag:$0x5] =	stream.linear.gather [hbm4b:s13+s3], $0x80, $0x38;
	[tilespmem:$0x1C300] =	vst v63  }
0xb7: {  	_ =	swait.ge [sflag:s23], $0x80  }
0xb8: {  	s13 =	sadd.s32 s11, s20;
	[sflag:s23] =	ssyncset.done $0x0  }
0xb9: {  	s14 =	sadd.s32 $0x600, s13;
	[sflag:s23] =	ssyncadd.s32 $0xFFFFFF80  }
0xba: {  	[tilespmem:s26], [sflag:$0x5] =	stream.linear.gather [hbm4b:s14+s3], $0x80, $0x38;
	[tilespmem:$0x1C300] =	vst v63  }
0xbb: {  	_ =	swait.ge [sflag:s23], $0x80  }
0xbc: {  	s14 =	sadd.s32 s11, s19;
	[sflag:s23] =	ssyncset.done $0x0  }
0xbd: {  	s15 =	sadd.s32 $0x600, s14;
	[sflag:s23] =	ssyncadd.s32 $0xFFFFFF80  }
0xbe: {  	[tilespmem:s30], [sflag:$0x5] =	stream.linear.gather [hbm4b:s15+s3], $0x80, $0x38;
	[tilespmem:$0x1C300] =	vst v63  }
0xbf: {  	_ =	swait.ge [sflag:s23], $0x80  }
0xc0: {  	[sflag:s23] =	ssyncset.done $0x0  }
0xc1: {  	[sflag:s23] =	ssyncadd.s32 $0xFFFFFF80  }
0xc2: {  	v0 =	vld [tilespmem:$0x80]  }
0xc3: {  	v1 =	vld [tilespmem:$0x280]  }
0xc4: {  	v2 =	vld [tilespmem:$0x90]  }
0xc5: {  	v3 =	vld [tilespmem:$0x290]  }
0xc6: {  	v4 =	vld [tilespmem:$0xA0]  }
0xc7: {  	v5 =	vld [tilespmem:$0x2A0]  }
0xc8: {  	v6 =	vld [tilespmem:$0xB0]  }
0xc9: {  	v7 =	vld [tilespmem:$0x2B0]  }
0xca: {  	v8 =	vld [tilespmem:$0xC0]  }
0xcb: {  	v9 =	vld [tilespmem:$0x2C0]  }
0xcc: {  	v10 =	vld [tilespmem:$0xD0]  }
0xcd: {  	v11 =	vld [tilespmem:$0x2D0];
	v0 =	vmul.u32 $0x2710, v0  }
0xce: {  	v12 =	vld [tilespmem:$0xE0];
	v2 =	vmul.u32 $0x2710, v2  }
0xcf: {  	v49 =	vld [tilespmem:$0xF0];
	v48 =	vmul.u32 $0x2710, v4;
	v0 =	vadd.s32 v1, v0  }
0xd0: {  	v52 =	vld [tilespmem:$0x2E0];
	v51 =	vmul.u32 $0x2710, v6;
	v50 =	vadd.s32 v3, v2;
	[tilespmem:$0x280] =	vst v0  }
0xd1: {  	v55 =	vld [tilespmem:$0x2F0];
	v54 =	vmul.u32 $0x2710, v8;
	v53 =	vadd.s32 v5, v48;
	[tilespmem:$0x290] =	vst v50  }
0xd2: {  	v57 =	vmul.u32 $0x2710, v10;
	v56 =	vadd.s32 v7, v51;
	[tilespmem:$0x2A0] =	vst v53  }
0xd3: {  	v59 =	vmul.u32 $0x2710, v12;
	v58 =	vadd.s32 v9, v54;
	[tilespmem:$0x2B0] =	vst v56  }
0xd4: {  	v61 =	vmul.u32 $0x2710, v49;
	v60 =	vadd.s32 v11, v57;
	[tilespmem:$0x2C0] =	vst v58  }
0xd5: {  	v62 =	vadd.s32 v52, v59;
	[tilespmem:$0x2D0] =	vst v60  }
0xd6: {  	v63 =	vadd.s32 v55, v61;
	[tilespmem:$0x2E0] =	vst v62  }
0xd7: {  	[tilespmem:$0x2F0] =	vst v63  }
0xd8: {  	_ =	swait.ge [sflag:s6], $0x4000  }
0xd9: {  	[sflag:s6] =	ssyncset.done $0x0  }
0xda: {  	p1 =	sgt.u32 s22, $0x9C3;
	[sflag:s6] =	ssyncadd.s32 $0xFFFFC000  }
0xdb: {  	[tilespmem:s31], [sflag:$0x2] =	stream.indirect.gather [hbm4b:s4+s26], $0x80, s29, s26, $0xb8;
	[tilespmem:$0x1C300] =	vst v63  }
.Ltmp4:
0xdc: {  	_ = 	snop;
	(pc) =	sbr.rel @p1 .LBB2_4-.Ltmp4, $4  }
0xdd: {  	_ =	swait.ge [sflag:s0], $0x4000  }
0xde: {  	[sflag:s0] =	ssyncset.done $0x0  }
0xdf: {  	[sflag:s0] =	ssyncadd.s32 $0xFFFFC000  }
0xe0: {  	[spmem:s2] =	stream.indirect.scatter.add.f32 [tilespmem:s28], [sflag:$0x3], $0x80, s25, s26, $0xb8;
	[tilespmem:$0x1C300] =	vst v63  }
0xe1: {  	s12 =	sadd.s32 $0x800, s12  }
0xe2: {  	[tilespmem:s24], [sflag:$0x5] =	stream.linear.gather [hbm4b:s12+s3], $0x80, $0x38;
	[tilespmem:$0x1C300] =	vst v63  }
0xe3: {  	_ =	swait.ge [sflag:s23], $0x80  }
0xe4: {  	[sflag:s23] =	ssyncset.done $0x0  }
0xe5: {  	s13 =	sadd.s32 $0x800, s13;
	[sflag:s23] =	ssyncadd.s32 $0xFFFFFF80  }
0xe6: {  	[tilespmem:s3], [sflag:$0x5] =	stream.linear.gather [hbm4b:s13+s3], $0x80, $0x38;
	[tilespmem:$0x1C300] =	vst v63  }
0xe7: {  	_ =	swait.ge [sflag:s23], $0x80  }
0xe8: {  	[sflag:s23] =	ssyncset.done $0x0  }
0xe9: {  	s15 =	sadd.s32 $0x800, s14;
	[sflag:s23] =	ssyncadd.s32 $0xFFFFFF80  }
0xea: {  	[tilespmem:s25], [sflag:$0x5] =	stream.linear.gather [hbm4b:s15+s3], $0x80, $0x38;
	[tilespmem:$0x1C300] =	vst v63  }
0xeb: {  	_ =	swait.ge [sflag:s23], $0x80  }
0xec: {  	[sflag:s23] =	ssyncset.done $0x0  }
0xed: {  	[sflag:s23] =	ssyncadd.s32 $0xFFFFFF80  }
0xee: {  	v0 =	vld [tilespmem:$0x0]  }
0xef: {  	v1 =	vld [tilespmem:$0x200]  }
0xf0: {  	v2 =	vld [tilespmem:$0x10]  }
0xf1: {  	v3 =	vld [tilespmem:$0x210]  }
0xf2: {  	v4 =	vld [tilespmem:$0x20]  }
0xf3: {  	v5 =	vld [tilespmem:$0x220]  }
0xf4: {  	v6 =	vld [tilespmem:$0x30]  }
0xf5: {  	v7 =	vld [tilespmem:$0x230]  }
0xf6: {  	v8 =	vld [tilespmem:$0x40]  }
0xf7: {  	v9 =	vld [tilespmem:$0x240]  }
0xf8: {  	v10 =	vld [tilespmem:$0x50]  }
0xf9: {  	v11 =	vld [tilespmem:$0x250];
	v0 =	vmul.u32 $0x2710, v0  }
0xfa: {  	v12 =	vld [tilespmem:$0x60];
	v2 =	vmul.u32 $0x2710, v2  }
0xfb: {  	v49 =	vld [tilespmem:$0x70];
	v48 =	vmul.u32 $0x2710, v4;
	v0 =	vadd.s32 v1, v0  }
0xfc: {  	v52 =	vld [tilespmem:$0x260];
	v51 =	vmul.u32 $0x2710, v6;
	v50 =	vadd.s32 v3, v2;
	[tilespmem:$0x200] =	vst v0  }
0xfd: {  	v55 =	vld [tilespmem:$0x270];
	v54 =	vmul.u32 $0x2710, v8;
	v53 =	vadd.s32 v5, v48;
	[tilespmem:$0x210] =	vst v50  }
0xfe: {  	v57 =	vmul.u32 $0x2710, v10;
	v56 =	vadd.s32 v7, v51;
	[tilespmem:$0x220] =	vst v53  }
0xff: {  	v59 =	vmul.u32 $0x2710, v12;
	v58 =	vadd.s32 v9, v54;
	[tilespmem:$0x230] =	vst v56  }
0x100: {  	v61 =	vmul.u32 $0x2710, v49;
	v60 =	vadd.s32 v11, v57;
	[tilespmem:$0x240] =	vst v58  }
0x101: {  	v62 =	vadd.s32 v52, v59;
	[tilespmem:$0x250] =	vst v60  }
0x102: {  	v63 =	vadd.s32 v55, v61;
	[tilespmem:$0x260] =	vst v62  }
.Ltmp5:
0x103: {  	[tilespmem:$0x270] =	vst v63;
	(pc) =	sbr.rel .LBB2_4-.Ltmp5, $4  }
0x104: {  	_ =	swait.ge [sflag:s1], $0x4000  }
0x105: {  	[sflag:s1] =	ssyncset.done $0x0  }
0x106: {  	[sflag:s1] =	ssyncadd.s32 $0xFFFFC000  }
0x107: {  	[tilespmem:s28], [sflag:$0x1] =	stream.indirect.gather [hbm4b:s4+s26], $0x80, s24, s26, $0xb8;
	[tilespmem:$0x1C300] =	vst v63  }
.LBB2_6:
0x108: {  	_ =	sfence.sel $0x180000  }
0x109: {  	[bflag:$0x0] =	sbarrier.arrive $0xFFFF  }
0x10a: {  	_ =	strace $0x90000047  }
0x10b: {  	s0 =	stileid.u32;
	[bflag:$0x2] =	sbarrier.arrive $0xFFFF  }
0x10c: {  	p0 =	sne.s32 s0, $0x0;
	s0 =	rddreg [dreg:$0x4]  }
0x10d: {  	s0 =	sadd.s32 @!p0 $0x100000, s0  }
0x10e: {  	[sflag:s0] =	ssyncadd.tile.s32 @!p0 $0x1;
	_ =	shalt  }
.Lfunc_end2:
_tile_overlayer_lowered:
.L_overlay_start_2:
0x10f: {  	(tag) =	ssettag $0x2  }
0x110: {  	s0 =	rddreg [dreg:$0x0];
	s2 =	stileid.u32  }
0x111: {  	s1 =	rddreg [dreg:$0x1];
	p0 =	sne.s32 s2, $0x0  }
0x112: {  	s3 =	rddreg [dreg:$0x2];
	[bflag:$0x3] =	sbarrier.arrive $0xFFFF;
	s2 =	simm.s32 @!p0 $0x1C05  }
0x113: {  	[timem:s3], [sflag:s2] =	dma.local @!p0 [hbm:s0], s1  }
0x114: {  	s0 =	simm.s32 @!p0 $0x5  }
0x115: {  	_ =	swait.ge @!p0 [sflag:s0], s1  }
0x116: {  	s1 =	ssub.s32 @!p0 $0x0, s1;
	[sflag:s0] =	ssyncset.done @!p0 $0x0  }
0x117: {  	[sflag:s0] =	ssyncadd.s32 @!p0 s1  }
0x118: {  	[bflag:$0x3] =	sbarrier.arrive $0xFFFF  }
0x119: {  	_ =	shalt  }

</sc_bundles>
